<compile_context>
chip_gen: v7x
topology: tpu7x:2x2x1
jax: 0.10.2.dev20260603
libtpu: 0.0.44.dev20260713+nightly
codegen_flags: <defaults>
</compile_context>

<pallas_src>
import functools

import jax
import jax.numpy as jnp
from jax import lax
from jax.experimental import pallas as pl
from jax.experimental.pallas import tpu as pltpu
from jax.experimental.pallas import tpu_sc as plsc

N = 10000
E = 320000
D1 = 128
D2 = 16

NC = 2
NS = 16
NW = NC * NS
C = 128
K = 79
EPT = K * C
E_PAD = EPT * NW

GPAD = 128
NPAD = N + GPAD

ROWS_A = 640
ROWS_LAST = N - (NS - 1) * ROWS_A

_MESH = dict(core_axis_name="c", subcore_axis_name="s")


def _copy_slices(src_ref, dst_ref, s, src_offset=True):
    @pl.when(s < NS - 1)
    def _():
        sb = s * ROWS_A if src_offset else 0
        pltpu.sync_copy(src_ref.at[pl.ds(sb, ROWS_A)],
                        dst_ref.at[pl.ds(s * ROWS_A, ROWS_A)])

    @pl.when(s == NS - 1)
    def _():
        sb = (NS - 1) * ROWS_A if src_offset else 0
        pltpu.sync_copy(src_ref.at[pl.ds(sb, ROWS_LAST)],
                        dst_ref.at[pl.ds((NS - 1) * ROWS_A, ROWS_LAST)])


@functools.partial(
    pl.kernel,
    out_type=jax.ShapeDtypeStruct((NC, N, D1), jnp.float32),
    mesh=plsc.VectorSubcoreMesh(**_MESH),
    scratch_types=[
        pltpu.VMEM((K, C), jnp.int32),
        pltpu.VMEM((C, D1), jnp.float32),
        pltpu.VMEM_SHARED((NPAD, D1), jnp.float32),
    ],
    name="gcn_degree_sc",
)
def _sc_degree(dst_hbm, ones_hbm, zeros_hbm, out_hbm, idx_v, ones_v, cnt_sh):
    c = lax.axis_index("c")
    s = lax.axis_index("s")
    wid = c * NS + s
    pltpu.sync_copy(dst_hbm.at[wid], idx_v)
    pltpu.sync_copy(ones_hbm, ones_v)
    _copy_slices(zeros_hbm, cnt_sh, s, src_offset=False)
    plsc.subcore_barrier()

    def body(j, carry):
        pltpu.sync_copy(ones_v, cnt_sh.at[idx_v.at[j]], add=True)
        return carry

    lax.fori_loop(0, K, body, 0)
    plsc.subcore_barrier()
    _copy_slices(cnt_sh, out_hbm.at[c], s)


@functools.partial(
    pl.kernel,
    out_type=jax.ShapeDtypeStruct((NC, N, D1), jnp.float32),
    mesh=plsc.VectorSubcoreMesh(**_MESH),
    scratch_types=[
        pltpu.VMEM((K, C), jnp.int32),
        pltpu.VMEM((K, C), jnp.int32),
        pltpu.VMEM((C, D1), jnp.float32),
        pltpu.VMEM_SHARED((NPAD, D1), jnp.float32),
    ],
    name="gcn_propagate_sc",
)
def _sc_propagate(y_hbm, src_hbm, dst_hbm, out_hbm, src_v, dst_v,
                  rows_v, z_sh):
    c = lax.axis_index("c")
    s = lax.axis_index("s")
    wid = c * NS + s
    pltpu.sync_copy(src_hbm.at[wid], src_v)
    pltpu.sync_copy(dst_hbm.at[wid], dst_v)
    _copy_slices(y_hbm, z_sh, s)
    plsc.subcore_barrier()

    def body(j, carry):
        pltpu.sync_copy(y_hbm.at[src_v.at[j]], rows_v)
        pltpu.sync_copy(rows_v, z_sh.at[dst_v.at[j]], add=True)
        return carry

    lax.fori_loop(0, K, body, 0)
    plsc.subcore_barrier()
    _copy_slices(z_sh, out_hbm.at[c], s)


BM = 1000


def _tc1_body(x_ref, w1_ref, p0_ref, p1_ref, y1_ref, d_ref):
    deg = p0_ref[:, 0:1] + p1_ref[:, 0:1] + 1.0
    d = lax.rsqrt(deg)
    xw = jnp.dot(x_ref[...], w1_ref[...], preferred_element_type=jnp.float32)
    y1_ref[...] = xw * d
    d_ref[...] = d


def _tc2_body(z0_ref, z1_ref, y1_ref, d_ref, b1_ref, g_ref):
    d = d_ref[...]
    agg = z0_ref[...] + z1_ref[...] - y1_ref[...]
    h = jnp.maximum(d * agg + b1_ref[...], 0.0)
    g_ref[...] = d * h


def _tc3_body(z0_ref, z1_ref, g_ref, d_ref, b2_ref, w2_ref, o_ref):
    s2 = d_ref[...] * (z0_ref[...] + z1_ref[...] - g_ref[...])
    o_ref[...] = jax.nn.sigmoid(
        jnp.dot(s2, w2_ref[...], preferred_element_type=jnp.float32)
        + b2_ref[...])


def kernel(x, edge_index, W1, b1, W2, b2):
    src = edge_index[0]
    dst = edge_index[1]
    pad = E_PAD - E
    src_p = jnp.concatenate([src, jnp.zeros((pad,), jnp.int32)]).reshape(NW, K, C)
    pad_dst = N + (jnp.arange(pad, dtype=jnp.int32) % GPAD)
    dst_p = jnp.concatenate([dst, pad_dst]).reshape(NW, K, C)

    ones = jnp.ones((C, D1), jnp.float32)
    zeros = jnp.zeros((ROWS_A, D1), jnp.float32)

    p = _sc_degree(dst_p, ones, zeros)

    y1, d = pl.pallas_call(
        _tc1_body,
        grid=(N // BM,),
        in_specs=[
            pl.BlockSpec((BM, D1), lambda i: (i, 0)),
            pl.BlockSpec((D1, D1), lambda i: (0, 0)),
            pl.BlockSpec((BM, D1), lambda i: (i, 0)),
            pl.BlockSpec((BM, D1), lambda i: (i, 0)),
        ],
        out_specs=[
            pl.BlockSpec((BM, D1), lambda i: (i, 0)),
            pl.BlockSpec((BM, 1), lambda i: (i, 0)),
        ],
        out_shape=[
            jax.ShapeDtypeStruct((N, D1), jnp.float32),
            jax.ShapeDtypeStruct((N, 1), jnp.float32),
        ],
    )(x, W1, p[0], p[1])

    zp1 = _sc_propagate(y1, src_p, dst_p)

    g = pl.pallas_call(
        _tc2_body,
        grid=(N // BM,),
        in_specs=[
            pl.BlockSpec((BM, D1), lambda i: (i, 0)),
            pl.BlockSpec((BM, D1), lambda i: (i, 0)),
            pl.BlockSpec((BM, D1), lambda i: (i, 0)),
            pl.BlockSpec((BM, 1), lambda i: (i, 0)),
            pl.BlockSpec((1, D1), lambda i: (0, 0)),
        ],
        out_specs=pl.BlockSpec((BM, D1), lambda i: (i, 0)),
        out_shape=jax.ShapeDtypeStruct((N, D1), jnp.float32),
    )(zp1[0], zp1[1], y1, d, b1.reshape(1, D1))

    zg = _sc_propagate(g, src_p, dst_p)

    out = pl.pallas_call(
        _tc3_body,
        grid=(N // BM,),
        in_specs=[
            pl.BlockSpec((BM, D1), lambda i: (i, 0)),
            pl.BlockSpec((BM, D1), lambda i: (i, 0)),
            pl.BlockSpec((BM, D1), lambda i: (i, 0)),
            pl.BlockSpec((BM, 1), lambda i: (i, 0)),
            pl.BlockSpec((1, D2), lambda i: (0, 0)),
            pl.BlockSpec((D1, D2), lambda i: (0, 0)),
        ],
        out_specs=pl.BlockSpec((BM, D2), lambda i: (i, 0)),
        out_shape=jax.ShapeDtypeStruct((N, D2), jnp.float32),
    )(zg[0], zg[1], g, d, b2.reshape(1, D2), W2)

    return out

# --- scband reference (transcript-rebuilt; emitter-appended) ---
"""Pipeline reference for scband-gcn-module-81398220194326 (READ-ONLY COPY).

The authoritative reference and input builder live on the scoring server;
editing this copy changes nothing except your own understanding.
"""

import jax, jax.numpy as jnp
import numpy as np

N_NODES = 10000
N_EDGES = 320000
IN_DIM = 128
HID_DIM = 128
NCLASS = 16


def setup_inputs(seed: int = 0) -> dict:
    key = jax.random.key(seed)
    k1, k2, k3, k4, k5, k6 = jax.random.split(key, 6)
    x = jax.random.normal(k1, (N_NODES, IN_DIM), dtype=jnp.float32)
    edge_index = jax.random.randint(k2, (2, N_EDGES), 0, N_NODES, dtype=jnp.int32)
    # GCNConv params (Glorot-ish init)
    W1 = jax.random.normal(k3, (IN_DIM, HID_DIM), dtype=jnp.float32) * (1.0 / np.sqrt(IN_DIM))
    b1 = jnp.zeros((HID_DIM,), dtype=jnp.float32)
    W2 = jax.random.normal(k4, (HID_DIM, NCLASS), dtype=jnp.float32) * (1.0 / np.sqrt(HID_DIM))
    b2 = jnp.zeros((NCLASS,), dtype=jnp.float32)
    return {"x": x, "edge_index": edge_index, "W1": W1, "b1": b1, "W2": W2, "b2": b2}


def _gcn_conv(x, edge_index, W, b):
    # Faithful PyG GCNConv (add_self_loops=True, normalize=True, bias=True):
    # out = D^{-1/2} (A + I) D^{-1/2} X W + b
    N = x.shape[0]
    src = edge_index[0]
    dst = edge_index[1]
    loop = jnp.arange(N, dtype=src.dtype)
    src = jnp.concatenate([src, loop])
    dst = jnp.concatenate([dst, loop])
    deg = jnp.zeros((N,), dtype=x.dtype).at[dst].add(1.0)
    deg_inv_sqrt = jnp.where(deg > 0, jax.lax.rsqrt(deg), 0.0)
    norm = deg_inv_sqrt[src] * deg_inv_sqrt[dst]
    xw = x @ W
    msg = xw[src] * norm[:, None]
    out = jnp.zeros((N, W.shape[1]), dtype=x.dtype).at[dst].add(msg)
    return out + b


def reference(x, edge_index, W1, b1, W2, b2):
    # Dropout(p=0.1) is identity in eval mode (training=False)
    h = _gcn_conv(x, edge_index, W1, b1)
    h = jax.nn.relu(h)
    out = _gcn_conv(h, edge_index, W2, b2)
    return jax.nn.sigmoid(out)

if __name__ == "__main__":
    import jax
    _d = setup_inputs()
    print(jax.jit(kernel)(*tuple(_d.values())))

</pallas_src>

<mosaic_0001>
#map = affine_map<(d0, d1) -> (0, 0, 0)>
#map1 = affine_map<(d0, d1) -> (0, 0)>
module attributes {stable_mosaic.version = 14 : i64} {
  func.func @gcn_degree_sc(%arg0: i32, %arg1: i32, %arg2: memref<32x79x128xi32, #tpu.memory_space<hbm>>, %arg3: memref<128x128xf32, #tpu.memory_space<hbm>>, %arg4: memref<640x128xf32, #tpu.memory_space<hbm>>, %arg5: memref<2x10000x128xf32, #tpu.memory_space<hbm>>, %arg6: memref<79x128xi32, #tpu.memory_space<vmem>>, %arg7: memref<128x128xf32, #tpu.memory_space<vmem>>, %arg8: memref<10128x128xf32, #tpu.memory_space<vmem_shared>>) attributes {dimension_semantics = [#tpu.dimension_semantics<core_parallel>, #tpu.dimension_semantics<subcore_parallel>], iteration_bounds = array<i64: 2, 16>, scalar_prefetch = 0 : i64, scratch_operands = 3 : i64, tpu.core_type = #tpu.core_type<sc_vector_subcore>, window_params = [{transform_indices = #map}, {transform_indices = #map1}, {transform_indices = #map1}, {transform_indices = #map}]} {
    %mul3A = arith.constant 16 : i32
    %mul3A_0 = arith.muli %arg0, %mul3A : i32
    %add3A = arith.addi %mul3A_0, %arg1 : i32
    "tpu.region"() ({
      %run_scoped3A = tpu.sem_alloc : memref<!tpu.dma_semaphore, #tpu.memory_space<semaphore_mem>>
      %dma_start3A = arith.constant 0 : i32
      %dma_start3A_23 = arith.constant 0 : i32
      %dma_start3A_24 = tpu.memref_slice %arg2[%add3A, %dma_start3A, %dma_start3A_23] : memref<32x79x128xi32, #tpu.memory_space<hbm>> -> memref<1x79x128xi32, #tpu.memory_space<hbm>>
      %dma_start3A_25 = tpu.memref_squeeze %dma_start3A_24 : memref<1x79x128xi32, #tpu.memory_space<hbm>> -> memref<79x128xi32, #tpu.memory_space<hbm>>
      %dma_start3A_26 = arith.constant 0 : i32
      %dma_start3A_27 = arith.constant 0 : i32
      %dma_start3A_28 = tpu.memref_slice %arg2[%add3A, %dma_start3A_26, %dma_start3A_27] : memref<32x79x128xi32, #tpu.memory_space<hbm>> -> memref<1x79x128xi32, #tpu.memory_space<hbm>>
      %dma_start3A_29 = tpu.memref_squeeze %dma_start3A_28 : memref<1x79x128xi32, #tpu.memory_space<hbm>> -> memref<79x128xi32, #tpu.memory_space<hbm>>
      tpu.enqueue_dma source(%dma_start3A_29 : memref<79x128xi32, #tpu.memory_space<hbm>>) target(%arg6 : memref<79x128xi32, #tpu.memory_space<vmem>>) target_semaphore(%run_scoped3A : memref<!tpu.dma_semaphore, #tpu.memory_space<semaphore_mem>>)
      %dma_wait3A = arith.constant 0 : i32
      %dma_wait3A_30 = arith.constant 0 : i32
      %dma_wait3A_31 = tpu.memref_slice %arg2[%add3A, %dma_wait3A, %dma_wait3A_30] : memref<32x79x128xi32, #tpu.memory_space<hbm>> -> memref<1x79x128xi32, #tpu.memory_space<hbm>>
      %dma_wait3A_32 = tpu.memref_squeeze %dma_wait3A_31 : memref<1x79x128xi32, #tpu.memory_space<hbm>> -> memref<79x128xi32, #tpu.memory_space<hbm>>
      %dma_wait3A_33 = arith.constant 0 : i32
      %dma_wait3A_34 = arith.constant 0 : i32
      %dma_wait3A_35 = tpu.memref_slice %arg2[%add3A, %dma_wait3A_33, %dma_wait3A_34] : memref<32x79x128xi32, #tpu.memory_space<hbm>> -> memref<1x79x128xi32, #tpu.memory_space<hbm>>
      %dma_wait3A_36 = tpu.memref_squeeze %dma_wait3A_35 : memref<1x79x128xi32, #tpu.memory_space<hbm>> -> memref<79x128xi32, #tpu.memory_space<hbm>>
      tpu.wait_dma2 semaphore(%run_scoped3A : memref<!tpu.dma_semaphore, #tpu.memory_space<semaphore_mem>>) src(%dma_wait3A_36 : memref<79x128xi32, #tpu.memory_space<hbm>>) dst(%arg6 : memref<79x128xi32, #tpu.memory_space<vmem>>)
      tpu.yield
    }) : () -> ()
    "tpu.region"() ({
      %run_scoped3A = tpu.sem_alloc : memref<!tpu.dma_semaphore, #tpu.memory_space<semaphore_mem>>
      tpu.enqueue_dma source(%arg3 : memref<128x128xf32, #tpu.memory_space<hbm>>) target(%arg7 : memref<128x128xf32, #tpu.memory_space<vmem>>) target_semaphore(%run_scoped3A : memref<!tpu.dma_semaphore, #tpu.memory_space<semaphore_mem>>)
      tpu.wait_dma2 semaphore(%run_scoped3A : memref<!tpu.dma_semaphore, #tpu.memory_space<semaphore_mem>>) src(%arg3 : memref<128x128xf32, #tpu.memory_space<hbm>>) dst(%arg7 : memref<128x128xf32, #tpu.memory_space<vmem>>)
      tpu.yield
    }) : () -> ()
    %lt3A = arith.constant 15 : i32
    %lt3A_1 = arith.cmpi slt, %arg1, %lt3A : i32
    %convert_element_type3A = arith.extui %lt3A_1 : i1 to i32
    %cond3A = arith.constant 0 : i32
    %cond3A_2 = arith.cmpi ne, %convert_element_type3A, %cond3A : i32
    scf.if %cond3A_2 {
      %mul3A_23 = arith.constant 640 : i32
      %mul3A_24 = arith.muli %arg1, %mul3A_23 : i32
      "tpu.region"() ({
        %run_scoped3A = tpu.sem_alloc : memref<!tpu.dma_semaphore, #tpu.memory_space<semaphore_mem>>
        %dma_start3A = arith.constant 0 : i32
        %dma_start3A_25 = tpu.memref_slice %arg8[%mul3A_24, %dma_start3A] : memref<10128x128xf32, #tpu.memory_space<vmem_shared>> -> memref<640x128xf32, #tpu.memory_space<vmem_shared>>
        %dma_start3A_26 = arith.constant 0 : i32
        %dma_start3A_27 = arith.constant 0 : i32
        %dma_start3A_28 = tpu.memref_slice %arg4[%dma_start3A_26, %dma_start3A_27] : memref<640x128xf32, #tpu.memory_space<hbm>> -> memref<640x128xf32, #tpu.memory_space<hbm>>
        tpu.enqueue_dma source(%dma_start3A_28 : memref<640x128xf32, #tpu.memory_space<hbm>>) target(%dma_start3A_25 : memref<640x128xf32, #tpu.memory_space<vmem_shared>>) target_semaphore(%run_scoped3A : memref<!tpu.dma_semaphore, #tpu.memory_space<semaphore_mem>>)
        %dma_wait3A = arith.constant 0 : i32
        %dma_wait3A_29 = tpu.memref_slice %arg8[%mul3A_24, %dma_wait3A] : memref<10128x128xf32, #tpu.memory_space<vmem_shared>> -> memref<640x128xf32, #tpu.memory_space<vmem_shared>>
        %dma_wait3A_30 = arith.constant 0 : i32
        %dma_wait3A_31 = arith.constant 0 : i32
        %dma_wait3A_32 = tpu.memref_slice %arg4[%dma_wait3A_30, %dma_wait3A_31] : memref<640x128xf32, #tpu.memory_space<hbm>> -> memref<640x128xf32, #tpu.memory_space<hbm>>
        tpu.wait_dma2 semaphore(%run_scoped3A : memref<!tpu.dma_semaphore, #tpu.memory_space<semaphore_mem>>) src(%dma_wait3A_32 : memref<640x128xf32, #tpu.memory_space<hbm>>) dst(%dma_wait3A_29 : memref<640x128xf32, #tpu.memory_space<vmem_shared>>)
        tpu.yield
      }) : () -> ()
    } else {
    }
    %eq3A = arith.constant 15 : i32
    %eq3A_3 = arith.cmpi eq, %arg1, %eq3A : i32
    %convert_element_type3A_4 = arith.extui %eq3A_3 : i1 to i32
    %cond3A_5 = arith.constant 0 : i32
    %cond3A_6 = arith.cmpi ne, %convert_element_type3A_4, %cond3A_5 : i32
    scf.if %cond3A_6 {
      "tpu.region"() ({
        %run_scoped3A = tpu.sem_alloc : memref<!tpu.dma_semaphore, #tpu.memory_space<semaphore_mem>>
        %dma_start3A = arith.constant 9600 : i32
        %dma_start3A_23 = arith.constant 0 : i32
        %dma_start3A_24 = tpu.memref_slice %arg8[%dma_start3A, %dma_start3A_23] : memref<10128x128xf32, #tpu.memory_space<vmem_shared>> -> memref<400x128xf32, #tpu.memory_space<vmem_shared>>
        %dma_start3A_25 = arith.constant 0 : i32
        %dma_start3A_26 = arith.constant 0 : i32
        %dma_start3A_27 = tpu.memref_slice %arg4[%dma_start3A_25, %dma_start3A_26] : memref<640x128xf32, #tpu.memory_space<hbm>> -> memref<400x128xf32, #tpu.memory_space<hbm>>
        tpu.enqueue_dma source(%dma_start3A_27 : memref<400x128xf32, #tpu.memory_space<hbm>>) target(%dma_start3A_24 : memref<400x128xf32, #tpu.memory_space<vmem_shared>>) target_semaphore(%run_scoped3A : memref<!tpu.dma_semaphore, #tpu.memory_space<semaphore_mem>>)
        %dma_wait3A = arith.constant 9600 : i32
        %dma_wait3A_28 = arith.constant 0 : i32
        %dma_wait3A_29 = tpu.memref_slice %arg8[%dma_wait3A, %dma_wait3A_28] : memref<10128x128xf32, #tpu.memory_space<vmem_shared>> -> memref<400x128xf32, #tpu.memory_space<vmem_shared>>
        %dma_wait3A_30 = arith.constant 0 : i32
        %dma_wait3A_31 = arith.constant 0 : i32
        %dma_wait3A_32 = tpu.memref_slice %arg4[%dma_wait3A_30, %dma_wait3A_31] : memref<640x128xf32, #tpu.memory_space<hbm>> -> memref<400x128xf32, #tpu.memory_space<hbm>>
        tpu.wait_dma2 semaphore(%run_scoped3A : memref<!tpu.dma_semaphore, #tpu.memory_space<semaphore_mem>>) src(%dma_wait3A_32 : memref<400x128xf32, #tpu.memory_space<hbm>>) dst(%dma_wait3A_29 : memref<400x128xf32, #tpu.memory_space<vmem_shared>>)
        tpu.yield
      }) : () -> ()
    } else {
    }
    %barrier3A = arith.constant 0 : index
    tpu.barrier barrier_id(%barrier3A)
    %scan3A = arith.constant 0 : i32
    %scan3A_7 = arith.constant 0 : i32
    %scan3A_8 = arith.constant 79 : i32
    %scan3A_9 = arith.addi %scan3A_7, %scan3A_8 : i32
    %scan3A_10 = arith.constant 1 : i32
    scf.for %scan3A_23 = %scan3A_7 to %scan3A_9 step %scan3A_10  : i32 {
      "tpu.region"() ({
        %run_scoped3A = tpu.sem_alloc : memref<!tpu.dma_semaphore, #tpu.memory_space<semaphore_mem>>
        %dma_start3A = arith.constant 0 : i32
        %dma_start3A_24 = tpu.memref_slice %arg6[%scan3A_23, %dma_start3A] : memref<79x128xi32, #tpu.memory_space<vmem>> -> memref<1x128xi32, #tpu.memory_space<vmem>>
        %dma_start3A_25 = tpu.memref_squeeze %dma_start3A_24 : memref<1x128xi32, #tpu.memory_space<vmem>> -> memref<128xi32, #tpu.memory_space<vmem>>
        %dma_start3A_26 = arith.constant 0 : i32
        %dma_start3A_27 = arith.constant 0 : i32
        %dma_start3A_28 = tpu.memref_slice %arg8[%dma_start3A_26, %dma_start3A_27] : memref<10128x128xf32, #tpu.memory_space<vmem_shared>> -> memref<10128x128xf32, #tpu.memory_space<vmem_shared>>
        tpu.enqueue_indirect_dma source(%arg7 : memref<128x128xf32, #tpu.memory_space<vmem>>) target(%dma_start3A_28 : memref<10128x128xf32, #tpu.memory_space<vmem_shared>>) offsets(%dma_start3A_25 : memref<128xi32, #tpu.memory_space<vmem>>) semaphore(%run_scoped3A : memref<!tpu.dma_semaphore, #tpu.memory_space<semaphore_mem>>) {add = true}
        %dma_wait3A = arith.constant 0 : i32
        %dma_wait3A_29 = tpu.memref_slice %arg6[%scan3A_23, %dma_wait3A] : memref<79x128xi32, #tpu.memory_space<vmem>> -> memref<1x128xi32, #tpu.memory_space<vmem>>
        %dma_wait3A_30 = tpu.memref_squeeze %dma_wait3A_29 : memref<1x128xi32, #tpu.memory_space<vmem>> -> memref<128xi32, #tpu.memory_space<vmem>>
        %dma_wait3A_31 = arith.constant 0 : i32
        %dma_wait3A_32 = arith.constant 0 : i32
        %dma_wait3A_33 = tpu.memref_slice %arg8[%dma_wait3A_31, %dma_wait3A_32] : memref<10128x128xf32, #tpu.memory_space<vmem_shared>> -> memref<10128x128xf32, #tpu.memory_space<vmem_shared>>
        tpu.wait_indirect_dma semaphore(%run_scoped3A : memref<!tpu.dma_semaphore, #tpu.memory_space<semaphore_mem>>) src(%arg7 : memref<128x128xf32, #tpu.memory_space<vmem>>) dst(%dma_wait3A_33 : memref<10128x128xf32, #tpu.memory_space<vmem_shared>>)
        tpu.yield
      }) : () -> ()
    }
    %scan3A_11 = arith.constant 79 : i32
    %barrier3A_12 = arith.constant 0 : index
    tpu.barrier barrier_id(%barrier3A_12)
    %lt3A_13 = arith.constant 15 : i32
    %lt3A_14 = arith.cmpi slt, %arg1, %lt3A_13 : i32
    %convert_element_type3A_15 = arith.extui %lt3A_14 : i1 to i32
    %cond3A_16 = arith.constant 0 : i32
    %cond3A_17 = arith.cmpi ne, %convert_element_type3A_15, %cond3A_16 : i32
    scf.if %cond3A_17 {
      %mul3A_23 = arith.constant 640 : i32
      %mul3A_24 = arith.muli %arg1, %mul3A_23 : i32
      %mul3A_25 = arith.constant 640 : i32
      %mul3A_26 = arith.muli %arg1, %mul3A_25 : i32
      "tpu.region"() ({
        %run_scoped3A = tpu.sem_alloc : memref<!tpu.dma_semaphore, #tpu.memory_space<semaphore_mem>>
        %dma_start3A = arith.constant 0 : i32
        %dma_start3A_27 = arith.constant 0 : i32
        %dma_start3A_28 = tpu.memref_slice %arg5[%arg0, %dma_start3A, %dma_start3A_27] : memref<2x10000x128xf32, #tpu.memory_space<hbm>> -> memref<1x10000x128xf32, #tpu.memory_space<hbm>>
        %dma_start3A_29 = tpu.memref_squeeze %dma_start3A_28 : memref<1x10000x128xf32, #tpu.memory_space<hbm>> -> memref<10000x128xf32, #tpu.memory_space<hbm>>
        %dma_start3A_30 = arith.constant 0 : i32
        %dma_start3A_31 = tpu.memref_slice %dma_start3A_29[%mul3A_26, %dma_start3A_30] : memref<10000x128xf32, #tpu.memory_space<hbm>> -> memref<640x128xf32, #tpu.memory_space<hbm>>
        %dma_start3A_32 = arith.constant 0 : i32
        %dma_start3A_33 = tpu.memref_slice %arg8[%mul3A_24, %dma_start3A_32] : memref<10128x128xf32, #tpu.memory_space<vmem_shared>> -> memref<640x128xf32, #tpu.memory_space<vmem_shared>>
        tpu.enqueue_dma source(%dma_start3A_33 : memref<640x128xf32, #tpu.memory_space<vmem_shared>>) target(%dma_start3A_31 : memref<640x128xf32, #tpu.memory_space<hbm>>) target_semaphore(%run_scoped3A : memref<!tpu.dma_semaphore, #tpu.memory_space<semaphore_mem>>)
        %dma_wait3A = arith.constant 0 : i32
        %dma_wait3A_34 = arith.constant 0 : i32
        %dma_wait3A_35 = tpu.memref_slice %arg5[%arg0, %dma_wait3A, %dma_wait3A_34] : memref<2x10000x128xf32, #tpu.memory_space<hbm>> -> memref<1x10000x128xf32, #tpu.memory_space<hbm>>
        %dma_wait3A_36 = tpu.memref_squeeze %dma_wait3A_35 : memref<1x10000x128xf32, #tpu.memory_space<hbm>> -> memref<10000x128xf32, #tpu.memory_space<hbm>>
        %dma_wait3A_37 = arith.constant 0 : i32
        %dma_wait3A_38 = tpu.memref_slice %dma_wait3A_36[%mul3A_26, %dma_wait3A_37] : memref<10000x128xf32, #tpu.memory_space<hbm>> -> memref<640x128xf32, #tpu.memory_space<hbm>>
        %dma_wait3A_39 = arith.constant 0 : i32
        %dma_wait3A_40 = tpu.memref_slice %arg8[%mul3A_24, %dma_wait3A_39] : memref<10128x128xf32, #tpu.memory_space<vmem_shared>> -> memref<640x128xf32, #tpu.memory_space<vmem_shared>>
        tpu.wait_dma2 semaphore(%run_scoped3A : memref<!tpu.dma_semaphore, #tpu.memory_space<semaphore_mem>>) src(%dma_wait3A_40 : memref<640x128xf32, #tpu.memory_space<vmem_shared>>) dst(%dma_wait3A_38 : memref<640x128xf32, #tpu.memory_space<hbm>>)
        tpu.yield
      }) : () -> ()
    } else {
    }
    %eq3A_18 = arith.constant 15 : i32
    %eq3A_19 = arith.cmpi eq, %arg1, %eq3A_18 : i32
    %convert_element_type3A_20 = arith.extui %eq3A_19 : i1 to i32
    %cond3A_21 = arith.constant 0 : i32
    %cond3A_22 = arith.cmpi ne, %convert_element_type3A_20, %cond3A_21 : i32
    scf.if %cond3A_22 {
      "tpu.region"() ({
        %run_scoped3A = tpu.sem_alloc : memref<!tpu.dma_semaphore, #tpu.memory_space<semaphore_mem>>
        %dma_start3A = arith.constant 0 : i32
        %dma_start3A_23 = arith.constant 0 : i32
        %dma_start3A_24 = tpu.memref_slice %arg5[%arg0, %dma_start3A, %dma_start3A_23] : memref<2x10000x128xf32, #tpu.memory_space<hbm>> -> memref<1x10000x128xf32, #tpu.memory_space<hbm>>
        %dma_start3A_25 = tpu.memref_squeeze %dma_start3A_24 : memref<1x10000x128xf32, #tpu.memory_space<hbm>> -> memref<10000x128xf32, #tpu.memory_space<hbm>>
        %dma_start3A_26 = arith.constant 9600 : i32
        %dma_start3A_27 = arith.constant 0 : i32
        %dma_start3A_28 = tpu.memref_slice %dma_start3A_25[%dma_start3A_26, %dma_start3A_27] : memref<10000x128xf32, #tpu.memory_space<hbm>> -> memref<400x128xf32, #tpu.memory_space<hbm>>
        %dma_start3A_29 = arith.constant 9600 : i32
        %dma_start3A_30 = arith.constant 0 : i32
        %dma_start3A_31 = tpu.memref_slice %arg8[%dma_start3A_29, %dma_start3A_30] : memref<10128x128xf32, #tpu.memory_space<vmem_shared>> -> memref<400x128xf32, #tpu.memory_space<vmem_shared>>
        tpu.enqueue_dma source(%dma_start3A_31 : memref<400x128xf32, #tpu.memory_space<vmem_shared>>) target(%dma_start3A_28 : memref<400x128xf32, #tpu.memory_space<hbm>>) target_semaphore(%run_scoped3A : memref<!tpu.dma_semaphore, #tpu.memory_space<semaphore_mem>>)
        %dma_wait3A = arith.constant 0 : i32
        %dma_wait3A_32 = arith.constant 0 : i32
        %dma_wait3A_33 = tpu.memref_slice %arg5[%arg0, %dma_wait3A, %dma_wait3A_32] : memref<2x10000x128xf32, #tpu.memory_space<hbm>> -> memref<1x10000x128xf32, #tpu.memory_space<hbm>>
        %dma_wait3A_34 = tpu.memref_squeeze %dma_wait3A_33 : memref<1x10000x128xf32, #tpu.memory_space<hbm>> -> memref<10000x128xf32, #tpu.memory_space<hbm>>
        %dma_wait3A_35 = arith.constant 9600 : i32
        %dma_wait3A_36 = arith.constant 0 : i32
        %dma_wait3A_37 = tpu.memref_slice %dma_wait3A_34[%dma_wait3A_35, %dma_wait3A_36] : memref<10000x128xf32, #tpu.memory_space<hbm>> -> memref<400x128xf32, #tpu.memory_space<hbm>>
        %dma_wait3A_38 = arith.constant 9600 : i32
        %dma_wait3A_39 = arith.constant 0 : i32
        %dma_wait3A_40 = tpu.memref_slice %arg8[%dma_wait3A_38, %dma_wait3A_39] : memref<10128x128xf32, #tpu.memory_space<vmem_shared>> -> memref<400x128xf32, #tpu.memory_space<vmem_shared>>
        tpu.wait_dma2 semaphore(%run_scoped3A : memref<!tpu.dma_semaphore, #tpu.memory_space<semaphore_mem>>) src(%dma_wait3A_40 : memref<400x128xf32, #tpu.memory_space<vmem_shared>>) dst(%dma_wait3A_37 : memref<400x128xf32, #tpu.memory_space<hbm>>)
        tpu.yield
      }) : () -> ()
    } else {
    }
    return
  }
}

#map = affine_map<(d0, d1) -> (0, 0)>
#map1 = affine_map<(d0, d1) -> (0, 0, 0)>
module attributes {stable_mosaic.version = 14 : i64} {
  func.func @gcn_propagate_sc(%arg0: i32, %arg1: i32, %arg2: memref<10000x128xf32, #tpu.memory_space<hbm>>, %arg3: memref<32x79x128xi32, #tpu.memory_space<hbm>>, %arg4: memref<32x79x128xi32, #tpu.memory_space<hbm>>, %arg5: memref<2x10000x128xf32, #tpu.memory_space<hbm>>, %arg6: memref<79x128xi32, #tpu.memory_space<vmem>>, %arg7: memref<79x128xi32, #tpu.memory_space<vmem>>, %arg8: memref<128x128xf32, #tpu.memory_space<vmem>>, %arg9: memref<10128x128xf32, #tpu.memory_space<vmem_shared>>) attributes {dimension_semantics = [#tpu.dimension_semantics<core_parallel>, #tpu.dimension_semantics<subcore_parallel>], iteration_bounds = array<i64: 2, 16>, scalar_prefetch = 0 : i64, scratch_operands = 4 : i64, tpu.core_type = #tpu.core_type<sc_vector_subcore>, window_params = [{transform_indices = #map}, {transform_indices = #map1}, {transform_indices = #map1}, {transform_indices = #map1}]} {
    %mul3A = arith.constant 16 : i32
    %mul3A_0 = arith.muli %arg0, %mul3A : i32
    %add3A = arith.addi %mul3A_0, %arg1 : i32
    "tpu.region"() ({
      %run_scoped3A = tpu.sem_alloc : memref<!tpu.dma_semaphore, #tpu.memory_space<semaphore_mem>>
      %dma_start3A = arith.constant 0 : i32
      %dma_start3A_23 = arith.constant 0 : i32
      %dma_start3A_24 = tpu.memref_slice %arg3[%add3A, %dma_start3A, %dma_start3A_23] : memref<32x79x128xi32, #tpu.memory_space<hbm>> -> memref<1x79x128xi32, #tpu.memory_space<hbm>>
      %dma_start3A_25 = tpu.memref_squeeze %dma_start3A_24 : memref<1x79x128xi32, #tpu.memory_space<hbm>> -> memref<79x128xi32, #tpu.memory_space<hbm>>
      %dma_start3A_26 = arith.constant 0 : i32
      %dma_start3A_27 = arith.constant 0 : i32
      %dma_start3A_28 = tpu.memref_slice %arg3[%add3A, %dma_start3A_26, %dma_start3A_27] : memref<32x79x128xi32, #tpu.memory_space<hbm>> -> memref<1x79x128xi32, #tpu.memory_space<hbm>>
      %dma_start3A_29 = tpu.memref_squeeze %dma_start3A_28 : memref<1x79x128xi32, #tpu.memory_space<hbm>> -> memref<79x128xi32, #tpu.memory_space<hbm>>
      tpu.enqueue_dma source(%dma_start3A_29 : memref<79x128xi32, #tpu.memory_space<hbm>>) target(%arg6 : memref<79x128xi32, #tpu.memory_space<vmem>>) target_semaphore(%run_scoped3A : memref<!tpu.dma_semaphore, #tpu.memory_space<semaphore_mem>>)
      %dma_wait3A = arith.constant 0 : i32
      %dma_wait3A_30 = arith.constant 0 : i32
      %dma_wait3A_31 = tpu.memref_slice %arg3[%add3A, %dma_wait3A, %dma_wait3A_30] : memref<32x79x128xi32, #tpu.memory_space<hbm>> -> memref<1x79x128xi32, #tpu.memory_space<hbm>>
      %dma_wait3A_32 = tpu.memref_squeeze %dma_wait3A_31 : memref<1x79x128xi32, #tpu.memory_space<hbm>> -> memref<79x128xi32, #tpu.memory_space<hbm>>
      %dma_wait3A_33 = arith.constant 0 : i32
      %dma_wait3A_34 = arith.constant 0 : i32
      %dma_wait3A_35 = tpu.memref_slice %arg3[%add3A, %dma_wait3A_33, %dma_wait3A_34] : memref<32x79x128xi32, #tpu.memory_space<hbm>> -> memref<1x79x128xi32, #tpu.memory_space<hbm>>
      %dma_wait3A_36 = tpu.memref_squeeze %dma_wait3A_35 : memref<1x79x128xi32, #tpu.memory_space<hbm>> -> memref<79x128xi32, #tpu.memory_space<hbm>>
      tpu.wait_dma2 semaphore(%run_scoped3A : memref<!tpu.dma_semaphore, #tpu.memory_space<semaphore_mem>>) src(%dma_wait3A_36 : memref<79x128xi32, #tpu.memory_space<hbm>>) dst(%arg6 : memref<79x128xi32, #tpu.memory_space<vmem>>)
      tpu.yield
    }) : () -> ()
    "tpu.region"() ({
      %run_scoped3A = tpu.sem_alloc : memref<!tpu.dma_semaphore, #tpu.memory_space<semaphore_mem>>
      %dma_start3A = arith.constant 0 : i32
      %dma_start3A_23 = arith.constant 0 : i32
      %dma_start3A_24 = tpu.memref_slice %arg4[%add3A, %dma_start3A, %dma_start3A_23] : memref<32x79x128xi32, #tpu.memory_space<hbm>> -> memref<1x79x128xi32, #tpu.memory_space<hbm>>
      %dma_start3A_25 = tpu.memref_squeeze %dma_start3A_24 : memref<1x79x128xi32, #tpu.memory_space<hbm>> -> memref<79x128xi32, #tpu.memory_space<hbm>>
      %dma_start3A_26 = arith.constant 0 : i32
      %dma_start3A_27 = arith.constant 0 : i32
      %dma_start3A_28 = tpu.memref_slice %arg4[%add3A, %dma_start3A_26, %dma_start3A_27] : memref<32x79x128xi32, #tpu.memory_space<hbm>> -> memref<1x79x128xi32, #tpu.memory_space<hbm>>
      %dma_start3A_29 = tpu.memref_squeeze %dma_start3A_28 : memref<1x79x128xi32, #tpu.memory_space<hbm>> -> memref<79x128xi32, #tpu.memory_space<hbm>>
      tpu.enqueue_dma source(%dma_start3A_29 : memref<79x128xi32, #tpu.memory_space<hbm>>) target(%arg7 : memref<79x128xi32, #tpu.memory_space<vmem>>) target_semaphore(%run_scoped3A : memref<!tpu.dma_semaphore, #tpu.memory_space<semaphore_mem>>)
      %dma_wait3A = arith.constant 0 : i32
      %dma_wait3A_30 = arith.constant 0 : i32
      %dma_wait3A_31 = tpu.memref_slice %arg4[%add3A, %dma_wait3A, %dma_wait3A_30] : memref<32x79x128xi32, #tpu.memory_space<hbm>> -> memref<1x79x128xi32, #tpu.memory_space<hbm>>
      %dma_wait3A_32 = tpu.memref_squeeze %dma_wait3A_31 : memref<1x79x128xi32, #tpu.memory_space<hbm>> -> memref<79x128xi32, #tpu.memory_space<hbm>>
      %dma_wait3A_33 = arith.constant 0 : i32
      %dma_wait3A_34 = arith.constant 0 : i32
      %dma_wait3A_35 = tpu.memref_slice %arg4[%add3A, %dma_wait3A_33, %dma_wait3A_34] : memref<32x79x128xi32, #tpu.memory_space<hbm>> -> memref<1x79x128xi32, #tpu.memory_space<hbm>>
      %dma_wait3A_36 = tpu.memref_squeeze %dma_wait3A_35 : memref<1x79x128xi32, #tpu.memory_space<hbm>> -> memref<79x128xi32, #tpu.memory_space<hbm>>
      tpu.wait_dma2 semaphore(%run_scoped3A : memref<!tpu.dma_semaphore, #tpu.memory_space<semaphore_mem>>) src(%dma_wait3A_36 : memref<79x128xi32, #tpu.memory_space<hbm>>) dst(%arg7 : memref<79x128xi32, #tpu.memory_space<vmem>>)
      tpu.yield
    }) : () -> ()
    %lt3A = arith.constant 15 : i32
    %lt3A_1 = arith.cmpi slt, %arg1, %lt3A : i32
    %convert_element_type3A = arith.extui %lt3A_1 : i1 to i32
    %cond3A = arith.constant 0 : i32
    %cond3A_2 = arith.cmpi ne, %convert_element_type3A, %cond3A : i32
    scf.if %cond3A_2 {
      %mul3A_23 = arith.constant 640 : i32
      %mul3A_24 = arith.muli %arg1, %mul3A_23 : i32
      %mul3A_25 = arith.constant 640 : i32
      %mul3A_26 = arith.muli %arg1, %mul3A_25 : i32
      "tpu.region"() ({
        %run_scoped3A = tpu.sem_alloc : memref<!tpu.dma_semaphore, #tpu.memory_space<semaphore_mem>>
        %dma_start3A = arith.constant 0 : i32
        %dma_start3A_27 = tpu.memref_slice %arg9[%mul3A_26, %dma_start3A] : memref<10128x128xf32, #tpu.memory_space<vmem_shared>> -> memref<640x128xf32, #tpu.memory_space<vmem_shared>>
        %dma_start3A_28 = arith.constant 0 : i32
        %dma_start3A_29 = tpu.memref_slice %arg2[%mul3A_24, %dma_start3A_28] : memref<10000x128xf32, #tpu.memory_space<hbm>> -> memref<640x128xf32, #tpu.memory_space<hbm>>
        tpu.enqueue_dma source(%dma_start3A_29 : memref<640x128xf32, #tpu.memory_space<hbm>>) target(%dma_start3A_27 : memref<640x128xf32, #tpu.memory_space<vmem_shared>>) target_semaphore(%run_scoped3A : memref<!tpu.dma_semaphore, #tpu.memory_space<semaphore_mem>>)
        %dma_wait3A = arith.constant 0 : i32
        %dma_wait3A_30 = tpu.memref_slice %arg9[%mul3A_26, %dma_wait3A] : memref<10128x128xf32, #tpu.memory_space<vmem_shared>> -> memref<640x128xf32, #tpu.memory_space<vmem_shared>>
        %dma_wait3A_31 = arith.constant 0 : i32
        %dma_wait3A_32 = tpu.memref_slice %arg2[%mul3A_24, %dma_wait3A_31] : memref<10000x128xf32, #tpu.memory_space<hbm>> -> memref<640x128xf32, #tpu.memory_space<hbm>>
        tpu.wait_dma2 semaphore(%run_scoped3A : memref<!tpu.dma_semaphore, #tpu.memory_space<semaphore_mem>>) src(%dma_wait3A_32 : memref<640x128xf32, #tpu.memory_space<hbm>>) dst(%dma_wait3A_30 : memref<640x128xf32, #tpu.memory_space<vmem_shared>>)
        tpu.yield
      }) : () -> ()
    } else {
    }
    %eq3A = arith.constant 15 : i32
    %eq3A_3 = arith.cmpi eq, %arg1, %eq3A : i32
    %convert_element_type3A_4 = arith.extui %eq3A_3 : i1 to i32
    %cond3A_5 = arith.constant 0 : i32
    %cond3A_6 = arith.cmpi ne, %convert_element_type3A_4, %cond3A_5 : i32
    scf.if %cond3A_6 {
      "tpu.region"() ({
        %run_scoped3A = tpu.sem_alloc : memref<!tpu.dma_semaphore, #tpu.memory_space<semaphore_mem>>
        %dma_start3A = arith.constant 9600 : i32
        %dma_start3A_23 = arith.constant 0 : i32
        %dma_start3A_24 = tpu.memref_slice %arg9[%dma_start3A, %dma_start3A_23] : memref<10128x128xf32, #tpu.memory_space<vmem_shared>> -> memref<400x128xf32, #tpu.memory_space<vmem_shared>>
        %dma_start3A_25 = arith.constant 9600 : i32
        %dma_start3A_26 = arith.constant 0 : i32
        %dma_start3A_27 = tpu.memref_slice %arg2[%dma_start3A_25, %dma_start3A_26] : memref<10000x128xf32, #tpu.memory_space<hbm>> -> memref<400x128xf32, #tpu.memory_space<hbm>>
        tpu.enqueue_dma source(%dma_start3A_27 : memref<400x128xf32, #tpu.memory_space<hbm>>) target(%dma_start3A_24 : memref<400x128xf32, #tpu.memory_space<vmem_shared>>) target_semaphore(%run_scoped3A : memref<!tpu.dma_semaphore, #tpu.memory_space<semaphore_mem>>)
        %dma_wait3A = arith.constant 9600 : i32
        %dma_wait3A_28 = arith.constant 0 : i32
        %dma_wait3A_29 = tpu.memref_slice %arg9[%dma_wait3A, %dma_wait3A_28] : memref<10128x128xf32, #tpu.memory_space<vmem_shared>> -> memref<400x128xf32, #tpu.memory_space<vmem_shared>>
        %dma_wait3A_30 = arith.constant 9600 : i32
        %dma_wait3A_31 = arith.constant 0 : i32
        %dma_wait3A_32 = tpu.memref_slice %arg2[%dma_wait3A_30, %dma_wait3A_31] : memref<10000x128xf32, #tpu.memory_space<hbm>> -> memref<400x128xf32, #tpu.memory_space<hbm>>
        tpu.wait_dma2 semaphore(%run_scoped3A : memref<!tpu.dma_semaphore, #tpu.memory_space<semaphore_mem>>) src(%dma_wait3A_32 : memref<400x128xf32, #tpu.memory_space<hbm>>) dst(%dma_wait3A_29 : memref<400x128xf32, #tpu.memory_space<vmem_shared>>)
        tpu.yield
      }) : () -> ()
    } else {
    }
    %barrier3A = arith.constant 0 : index
    tpu.barrier barrier_id(%barrier3A)
    %scan3A = arith.constant 0 : i32
    %scan3A_7 = arith.constant 0 : i32
    %scan3A_8 = arith.constant 79 : i32
    %scan3A_9 = arith.addi %scan3A_7, %scan3A_8 : i32
    %scan3A_10 = arith.constant 1 : i32
    scf.for %scan3A_23 = %scan3A_7 to %scan3A_9 step %scan3A_10  : i32 {
      "tpu.region"() ({
        %run_scoped3A = tpu.sem_alloc : memref<!tpu.dma_semaphore, #tpu.memory_space<semaphore_mem>>
        %dma_start3A = arith.constant 0 : i32
        %dma_start3A_24 = tpu.memref_slice %arg6[%scan3A_23, %dma_start3A] : memref<79x128xi32, #tpu.memory_space<vmem>> -> memref<1x128xi32, #tpu.memory_space<vmem>>
        %dma_start3A_25 = tpu.memref_squeeze %dma_start3A_24 : memref<1x128xi32, #tpu.memory_space<vmem>> -> memref<128xi32, #tpu.memory_space<vmem>>
        %dma_start3A_26 = arith.constant 0 : i32
        %dma_start3A_27 = arith.constant 0 : i32
        %dma_start3A_28 = tpu.memref_slice %arg2[%dma_start3A_26, %dma_start3A_27] : memref<10000x128xf32, #tpu.memory_space<hbm>> -> memref<10000x128xf32, #tpu.memory_space<hbm>>
        tpu.enqueue_indirect_dma source(%dma_start3A_28 : memref<10000x128xf32, #tpu.memory_space<hbm>>) target(%arg8 : memref<128x128xf32, #tpu.memory_space<vmem>>) offsets(%dma_start3A_25 : memref<128xi32, #tpu.memory_space<vmem>>) semaphore(%run_scoped3A : memref<!tpu.dma_semaphore, #tpu.memory_space<semaphore_mem>>)
        %dma_wait3A = arith.constant 0 : i32
        %dma_wait3A_29 = tpu.memref_slice %arg6[%scan3A_23, %dma_wait3A] : memref<79x128xi32, #tpu.memory_space<vmem>> -> memref<1x128xi32, #tpu.memory_space<vmem>>
        %dma_wait3A_30 = tpu.memref_squeeze %dma_wait3A_29 : memref<1x128xi32, #tpu.memory_space<vmem>> -> memref<128xi32, #tpu.memory_space<vmem>>
        %dma_wait3A_31 = arith.constant 0 : i32
        %dma_wait3A_32 = arith.constant 0 : i32
        %dma_wait3A_33 = tpu.memref_slice %arg2[%dma_wait3A_31, %dma_wait3A_32] : memref<10000x128xf32, #tpu.memory_space<hbm>> -> memref<10000x128xf32, #tpu.memory_space<hbm>>
        tpu.wait_indirect_dma semaphore(%run_scoped3A : memref<!tpu.dma_semaphore, #tpu.memory_space<semaphore_mem>>) src(%dma_wait3A_33 : memref<10000x128xf32, #tpu.memory_space<hbm>>) dst(%arg8 : memref<128x128xf32, #tpu.memory_space<vmem>>)
        tpu.yield
      }) : () -> ()
      "tpu.region"() ({
        %run_scoped3A = tpu.sem_alloc : memref<!tpu.dma_semaphore, #tpu.memory_space<semaphore_mem>>
        %dma_start3A = arith.constant 0 : i32
        %dma_start3A_24 = tpu.memref_slice %arg7[%scan3A_23, %dma_start3A] : memref<79x128xi32, #tpu.memory_space<vmem>> -> memref<1x128xi32, #tpu.memory_space<vmem>>
        %dma_start3A_25 = tpu.memref_squeeze %dma_start3A_24 : memref<1x128xi32, #tpu.memory_space<vmem>> -> memref<128xi32, #tpu.memory_space<vmem>>
        %dma_start3A_26 = arith.constant 0 : i32
        %dma_start3A_27 = arith.constant 0 : i32
        %dma_start3A_28 = tpu.memref_slice %arg9[%dma_start3A_26, %dma_start3A_27] : memref<10128x128xf32, #tpu.memory_space<vmem_shared>> -> memref<10128x128xf32, #tpu.memory_space<vmem_shared>>
        tpu.enqueue_indirect_dma source(%arg8 : memref<128x128xf32, #tpu.memory_space<vmem>>) target(%dma_start3A_28 : memref<10128x128xf32, #tpu.memory_space<vmem_shared>>) offsets(%dma_start3A_25 : memref<128xi32, #tpu.memory_space<vmem>>) semaphore(%run_scoped3A : memref<!tpu.dma_semaphore, #tpu.memory_space<semaphore_mem>>) {add = true}
        %dma_wait3A = arith.constant 0 : i32
        %dma_wait3A_29 = tpu.memref_slice %arg7[%scan3A_23, %dma_wait3A] : memref<79x128xi32, #tpu.memory_space<vmem>> -> memref<1x128xi32, #tpu.memory_space<vmem>>
        %dma_wait3A_30 = tpu.memref_squeeze %dma_wait3A_29 : memref<1x128xi32, #tpu.memory_space<vmem>> -> memref<128xi32, #tpu.memory_space<vmem>>
        %dma_wait3A_31 = arith.constant 0 : i32
        %dma_wait3A_32 = arith.constant 0 : i32
        %dma_wait3A_33 = tpu.memref_slice %arg9[%dma_wait3A_31, %dma_wait3A_32] : memref<10128x128xf32, #tpu.memory_space<vmem_shared>> -> memref<10128x128xf32, #tpu.memory_space<vmem_shared>>
        tpu.wait_indirect_dma semaphore(%run_scoped3A : memref<!tpu.dma_semaphore, #tpu.memory_space<semaphore_mem>>) src(%arg8 : memref<128x128xf32, #tpu.memory_space<vmem>>) dst(%dma_wait3A_33 : memref<10128x128xf32, #tpu.memory_space<vmem_shared>>)
        tpu.yield
      }) : () -> ()
    }
    %scan3A_11 = arith.constant 79 : i32
    %barrier3A_12 = arith.constant 0 : index
    tpu.barrier barrier_id(%barrier3A_12)
    %lt3A_13 = arith.constant 15 : i32
    %lt3A_14 = arith.cmpi slt, %arg1, %lt3A_13 : i32
    %convert_element_type3A_15 = arith.extui %lt3A_14 : i1 to i32
    %cond3A_16 = arith.constant 0 : i32
    %cond3A_17 = arith.cmpi ne, %convert_element_type3A_15, %cond3A_16 : i32
    scf.if %cond3A_17 {
      %mul3A_23 = arith.constant 640 : i32
      %mul3A_24 = arith.muli %arg1, %mul3A_23 : i32
      %mul3A_25 = arith.constant 640 : i32
      %mul3A_26 = arith.muli %arg1, %mul3A_25 : i32
      "tpu.region"() ({
        %run_scoped3A = tpu.sem_alloc : memref<!tpu.dma_semaphore, #tpu.memory_space<semaphore_mem>>
        %dma_start3A = arith.constant 0 : i32
        %dma_start3A_27 = arith.constant 0 : i32
        %dma_start3A_28 = tpu.memref_slice %arg5[%arg0, %dma_start3A, %dma_start3A_27] : memref<2x10000x128xf32, #tpu.memory_space<hbm>> -> memref<1x10000x128xf32, #tpu.memory_space<hbm>>
        %dma_start3A_29 = tpu.memref_squeeze %dma_start3A_28 : memref<1x10000x128xf32, #tpu.memory_space<hbm>> -> memref<10000x128xf32, #tpu.memory_space<hbm>>
        %dma_start3A_30 = arith.constant 0 : i32
        %dma_start3A_31 = tpu.memref_slice %dma_start3A_29[%mul3A_26, %dma_start3A_30] : memref<10000x128xf32, #tpu.memory_space<hbm>> -> memref<640x128xf32, #tpu.memory_space<hbm>>
        %dma_start3A_32 = arith.constant 0 : i32
        %dma_start3A_33 = tpu.memref_slice %arg9[%mul3A_24, %dma_start3A_32] : memref<10128x128xf32, #tpu.memory_space<vmem_shared>> -> memref<640x128xf32, #tpu.memory_space<vmem_shared>>
        tpu.enqueue_dma source(%dma_start3A_33 : memref<640x128xf32, #tpu.memory_space<vmem_shared>>) target(%dma_start3A_31 : memref<640x128xf32, #tpu.memory_space<hbm>>) target_semaphore(%run_scoped3A : memref<!tpu.dma_semaphore, #tpu.memory_space<semaphore_mem>>)
        %dma_wait3A = arith.constant 0 : i32
        %dma_wait3A_34 = arith.constant 0 : i32
        %dma_wait3A_35 = tpu.memref_slice %arg5[%arg0, %dma_wait3A, %dma_wait3A_34] : memref<2x10000x128xf32, #tpu.memory_space<hbm>> -> memref<1x10000x128xf32, #tpu.memory_space<hbm>>
        %dma_wait3A_36 = tpu.memref_squeeze %dma_wait3A_35 : memref<1x10000x128xf32, #tpu.memory_space<hbm>> -> memref<10000x128xf32, #tpu.memory_space<hbm>>
        %dma_wait3A_37 = arith.constant 0 : i32
        %dma_wait3A_38 = tpu.memref_slice %dma_wait3A_36[%mul3A_26, %dma_wait3A_37] : memref<10000x128xf32, #tpu.memory_space<hbm>> -> memref<640x128xf32, #tpu.memory_space<hbm>>
        %dma_wait3A_39 = arith.constant 0 : i32
        %dma_wait3A_40 = tpu.memref_slice %arg9[%mul3A_24, %dma_wait3A_39] : memref<10128x128xf32, #tpu.memory_space<vmem_shared>> -> memref<640x128xf32, #tpu.memory_space<vmem_shared>>
        tpu.wait_dma2 semaphore(%run_scoped3A : memref<!tpu.dma_semaphore, #tpu.memory_space<semaphore_mem>>) src(%dma_wait3A_40 : memref<640x128xf32, #tpu.memory_space<vmem_shared>>) dst(%dma_wait3A_38 : memref<640x128xf32, #tpu.memory_space<hbm>>)
        tpu.yield
      }) : () -> ()
    } else {
    }
    %eq3A_18 = arith.constant 15 : i32
    %eq3A_19 = arith.cmpi eq, %arg1, %eq3A_18 : i32
    %convert_element_type3A_20 = arith.extui %eq3A_19 : i1 to i32
    %cond3A_21 = arith.constant 0 : i32
    %cond3A_22 = arith.cmpi ne, %convert_element_type3A_20, %cond3A_21 : i32
    scf.if %cond3A_22 {
      "tpu.region"() ({
        %run_scoped3A = tpu.sem_alloc : memref<!tpu.dma_semaphore, #tpu.memory_space<semaphore_mem>>
        %dma_start3A = arith.constant 0 : i32
        %dma_start3A_23 = arith.constant 0 : i32
        %dma_start3A_24 = tpu.memref_slice %arg5[%arg0, %dma_start3A, %dma_start3A_23] : memref<2x10000x128xf32, #tpu.memory_space<hbm>> -> memref<1x10000x128xf32, #tpu.memory_space<hbm>>
        %dma_start3A_25 = tpu.memref_squeeze %dma_start3A_24 : memref<1x10000x128xf32, #tpu.memory_space<hbm>> -> memref<10000x128xf32, #tpu.memory_space<hbm>>
        %dma_start3A_26 = arith.constant 9600 : i32
        %dma_start3A_27 = arith.constant 0 : i32
        %dma_start3A_28 = tpu.memref_slice %dma_start3A_25[%dma_start3A_26, %dma_start3A_27] : memref<10000x128xf32, #tpu.memory_space<hbm>> -> memref<400x128xf32, #tpu.memory_space<hbm>>
        %dma_start3A_29 = arith.constant 9600 : i32
        %dma_start3A_30 = arith.constant 0 : i32
        %dma_start3A_31 = tpu.memref_slice %arg9[%dma_start3A_29, %dma_start3A_30] : memref<10128x128xf32, #tpu.memory_space<vmem_shared>> -> memref<400x128xf32, #tpu.memory_space<vmem_shared>>
        tpu.enqueue_dma source(%dma_start3A_31 : memref<400x128xf32, #tpu.memory_space<vmem_shared>>) target(%dma_start3A_28 : memref<400x128xf32, #tpu.memory_space<hbm>>) target_semaphore(%run_scoped3A : memref<!tpu.dma_semaphore, #tpu.memory_space<semaphore_mem>>)
        %dma_wait3A = arith.constant 0 : i32
        %dma_wait3A_32 = arith.constant 0 : i32
        %dma_wait3A_33 = tpu.memref_slice %arg5[%arg0, %dma_wait3A, %dma_wait3A_32] : memref<2x10000x128xf32, #tpu.memory_space<hbm>> -> memref<1x10000x128xf32, #tpu.memory_space<hbm>>
        %dma_wait3A_34 = tpu.memref_squeeze %dma_wait3A_33 : memref<1x10000x128xf32, #tpu.memory_space<hbm>> -> memref<10000x128xf32, #tpu.memory_space<hbm>>
        %dma_wait3A_35 = arith.constant 9600 : i32
        %dma_wait3A_36 = arith.constant 0 : i32
        %dma_wait3A_37 = tpu.memref_slice %dma_wait3A_34[%dma_wait3A_35, %dma_wait3A_36] : memref<10000x128xf32, #tpu.memory_space<hbm>> -> memref<400x128xf32, #tpu.memory_space<hbm>>
        %dma_wait3A_38 = arith.constant 9600 : i32
        %dma_wait3A_39 = arith.constant 0 : i32
        %dma_wait3A_40 = tpu.memref_slice %arg9[%dma_wait3A_38, %dma_wait3A_39] : memref<10128x128xf32, #tpu.memory_space<vmem_shared>> -> memref<400x128xf32, #tpu.memory_space<vmem_shared>>
        tpu.wait_dma2 semaphore(%run_scoped3A : memref<!tpu.dma_semaphore, #tpu.memory_space<semaphore_mem>>) src(%dma_wait3A_40 : memref<400x128xf32, #tpu.memory_space<vmem_shared>>) dst(%dma_wait3A_37 : memref<400x128xf32, #tpu.memory_space<hbm>>)
        tpu.yield
      }) : () -> ()
    } else {
    }
    return
  }
}

#map = affine_map<(d0, d1) -> (0, 0)>
#map1 = affine_map<(d0, d1) -> (0, 0, 0)>
module attributes {stable_mosaic.version = 14 : i64} {
  func.func @gcn_propagate_sc(%arg0: i32, %arg1: i32, %arg2: memref<10000x128xf32, #tpu.memory_space<hbm>>, %arg3: memref<32x79x128xi32, #tpu.memory_space<hbm>>, %arg4: memref<32x79x128xi32, #tpu.memory_space<hbm>>, %arg5: memref<2x10000x128xf32, #tpu.memory_space<hbm>>, %arg6: memref<79x128xi32, #tpu.memory_space<vmem>>, %arg7: memref<79x128xi32, #tpu.memory_space<vmem>>, %arg8: memref<128x128xf32, #tpu.memory_space<vmem>>, %arg9: memref<10128x128xf32, #tpu.memory_space<vmem_shared>>) attributes {dimension_semantics = [#tpu.dimension_semantics<core_parallel>, #tpu.dimension_semantics<subcore_parallel>], iteration_bounds = array<i64: 2, 16>, scalar_prefetch = 0 : i64, scratch_operands = 4 : i64, tpu.core_type = #tpu.core_type<sc_vector_subcore>, window_params = [{transform_indices = #map}, {transform_indices = #map1}, {transform_indices = #map1}, {transform_indices = #map1}]} {
    %mul3A = arith.constant 16 : i32
    %mul3A_0 = arith.muli %arg0, %mul3A : i32
    %add3A = arith.addi %mul3A_0, %arg1 : i32
    "tpu.region"() ({
      %run_scoped3A = tpu.sem_alloc : memref<!tpu.dma_semaphore, #tpu.memory_space<semaphore_mem>>
      %dma_start3A = arith.constant 0 : i32
      %dma_start3A_23 = arith.constant 0 : i32
      %dma_start3A_24 = tpu.memref_slice %arg3[%add3A, %dma_start3A, %dma_start3A_23] : memref<32x79x128xi32, #tpu.memory_space<hbm>> -> memref<1x79x128xi32, #tpu.memory_space<hbm>>
      %dma_start3A_25 = tpu.memref_squeeze %dma_start3A_24 : memref<1x79x128xi32, #tpu.memory_space<hbm>> -> memref<79x128xi32, #tpu.memory_space<hbm>>
      %dma_start3A_26 = arith.constant 0 : i32
      %dma_start3A_27 = arith.constant 0 : i32
      %dma_start3A_28 = tpu.memref_slice %arg3[%add3A, %dma_start3A_26, %dma_start3A_27] : memref<32x79x128xi32, #tpu.memory_space<hbm>> -> memref<1x79x128xi32, #tpu.memory_space<hbm>>
      %dma_start3A_29 = tpu.memref_squeeze %dma_start3A_28 : memref<1x79x128xi32, #tpu.memory_space<hbm>> -> memref<79x128xi32, #tpu.memory_space<hbm>>
      tpu.enqueue_dma source(%dma_start3A_29 : memref<79x128xi32, #tpu.memory_space<hbm>>) target(%arg6 : memref<79x128xi32, #tpu.memory_space<vmem>>) target_semaphore(%run_scoped3A : memref<!tpu.dma_semaphore, #tpu.memory_space<semaphore_mem>>)
      %dma_wait3A = arith.constant 0 : i32
      %dma_wait3A_30 = arith.constant 0 : i32
      %dma_wait3A_31 = tpu.memref_slice %arg3[%add3A, %dma_wait3A, %dma_wait3A_30] : memref<32x79x128xi32, #tpu.memory_space<hbm>> -> memref<1x79x128xi32, #tpu.memory_space<hbm>>
      %dma_wait3A_32 = tpu.memref_squeeze %dma_wait3A_31 : memref<1x79x128xi32, #tpu.memory_space<hbm>> -> memref<79x128xi32, #tpu.memory_space<hbm>>
      %dma_wait3A_33 = arith.constant 0 : i32
      %dma_wait3A_34 = arith.constant 0 : i32
      %dma_wait3A_35 = tpu.memref_slice %arg3[%add3A, %dma_wait3A_33, %dma_wait3A_34] : memref<32x79x128xi32, #tpu.memory_space<hbm>> -> memref<1x79x128xi32, #tpu.memory_space<hbm>>
      %dma_wait3A_36 = tpu.memref_squeeze %dma_wait3A_35 : memref<1x79x128xi32, #tpu.memory_space<hbm>> -> memref<79x128xi32, #tpu.memory_space<hbm>>
      tpu.wait_dma2 semaphore(%run_scoped3A : memref<!tpu.dma_semaphore, #tpu.memory_space<semaphore_mem>>) src(%dma_wait3A_36 : memref<79x128xi32, #tpu.memory_space<hbm>>) dst(%arg6 : memref<79x128xi32, #tpu.memory_space<vmem>>)
      tpu.yield
    }) : () -> ()
    "tpu.region"() ({
      %run_scoped3A = tpu.sem_alloc : memref<!tpu.dma_semaphore, #tpu.memory_space<semaphore_mem>>
      %dma_start3A = arith.constant 0 : i32
      %dma_start3A_23 = arith.constant 0 : i32
      %dma_start3A_24 = tpu.memref_slice %arg4[%add3A, %dma_start3A, %dma_start3A_23] : memref<32x79x128xi32, #tpu.memory_space<hbm>> -> memref<1x79x128xi32, #tpu.memory_space<hbm>>
      %dma_start3A_25 = tpu.memref_squeeze %dma_start3A_24 : memref<1x79x128xi32, #tpu.memory_space<hbm>> -> memref<79x128xi32, #tpu.memory_space<hbm>>
      %dma_start3A_26 = arith.constant 0 : i32
      %dma_start3A_27 = arith.constant 0 : i32
      %dma_start3A_28 = tpu.memref_slice %arg4[%add3A, %dma_start3A_26, %dma_start3A_27] : memref<32x79x128xi32, #tpu.memory_space<hbm>> -> memref<1x79x128xi32, #tpu.memory_space<hbm>>
      %dma_start3A_29 = tpu.memref_squeeze %dma_start3A_28 : memref<1x79x128xi32, #tpu.memory_space<hbm>> -> memref<79x128xi32, #tpu.memory_space<hbm>>
      tpu.enqueue_dma source(%dma_start3A_29 : memref<79x128xi32, #tpu.memory_space<hbm>>) target(%arg7 : memref<79x128xi32, #tpu.memory_space<vmem>>) target_semaphore(%run_scoped3A : memref<!tpu.dma_semaphore, #tpu.memory_space<semaphore_mem>>)
      %dma_wait3A = arith.constant 0 : i32
      %dma_wait3A_30 = arith.constant 0 : i32
      %dma_wait3A_31 = tpu.memref_slice %arg4[%add3A, %dma_wait3A, %dma_wait3A_30] : memref<32x79x128xi32, #tpu.memory_space<hbm>> -> memref<1x79x128xi32, #tpu.memory_space<hbm>>
      %dma_wait3A_32 = tpu.memref_squeeze %dma_wait3A_31 : memref<1x79x128xi32, #tpu.memory_space<hbm>> -> memref<79x128xi32, #tpu.memory_space<hbm>>
      %dma_wait3A_33 = arith.constant 0 : i32
      %dma_wait3A_34 = arith.constant 0 : i32
      %dma_wait3A_35 = tpu.memref_slice %arg4[%add3A, %dma_wait3A_33, %dma_wait3A_34] : memref<32x79x128xi32, #tpu.memory_space<hbm>> -> memref<1x79x128xi32, #tpu.memory_space<hbm>>
      %dma_wait3A_36 = tpu.memref_squeeze %dma_wait3A_35 : memref<1x79x128xi32, #tpu.memory_space<hbm>> -> memref<79x128xi32, #tpu.memory_space<hbm>>
      tpu.wait_dma2 semaphore(%run_scoped3A : memref<!tpu.dma_semaphore, #tpu.memory_space<semaphore_mem>>) src(%dma_wait3A_36 : memref<79x128xi32, #tpu.memory_space<hbm>>) dst(%arg7 : memref<79x128xi32, #tpu.memory_space<vmem>>)
      tpu.yield
    }) : () -> ()
    %lt3A = arith.constant 15 : i32
    %lt3A_1 = arith.cmpi slt, %arg1, %lt3A : i32
    %convert_element_type3A = arith.extui %lt3A_1 : i1 to i32
    %cond3A = arith.constant 0 : i32
    %cond3A_2 = arith.cmpi ne, %convert_element_type3A, %cond3A : i32
    scf.if %cond3A_2 {
      %mul3A_23 = arith.constant 640 : i32
      %mul3A_24 = arith.muli %arg1, %mul3A_23 : i32
      %mul3A_25 = arith.constant 640 : i32
      %mul3A_26 = arith.muli %arg1, %mul3A_25 : i32
      "tpu.region"() ({
        %run_scoped3A = tpu.sem_alloc : memref<!tpu.dma_semaphore, #tpu.memory_space<semaphore_mem>>
        %dma_start3A = arith.constant 0 : i32
        %dma_start3A_27 = tpu.memref_slice %arg9[%mul3A_26, %dma_start3A] : memref<10128x128xf32, #tpu.memory_space<vmem_shared>> -> memref<640x128xf32, #tpu.memory_space<vmem_shared>>
        %dma_start3A_28 = arith.constant 0 : i32
        %dma_start3A_29 = tpu.memref_slice %arg2[%mul3A_24, %dma_start3A_28] : memref<10000x128xf32, #tpu.memory_space<hbm>> -> memref<640x128xf32, #tpu.memory_space<hbm>>
        tpu.enqueue_dma source(%dma_start3A_29 : memref<640x128xf32, #tpu.memory_space<hbm>>) target(%dma_start3A_27 : memref<640x128xf32, #tpu.memory_space<vmem_shared>>) target_semaphore(%run_scoped3A : memref<!tpu.dma_semaphore, #tpu.memory_space<semaphore_mem>>)
        %dma_wait3A = arith.constant 0 : i32
        %dma_wait3A_30 = tpu.memref_slice %arg9[%mul3A_26, %dma_wait3A] : memref<10128x128xf32, #tpu.memory_space<vmem_shared>> -> memref<640x128xf32, #tpu.memory_space<vmem_shared>>
        %dma_wait3A_31 = arith.constant 0 : i32
        %dma_wait3A_32 = tpu.memref_slice %arg2[%mul3A_24, %dma_wait3A_31] : memref<10000x128xf32, #tpu.memory_space<hbm>> -> memref<640x128xf32, #tpu.memory_space<hbm>>
        tpu.wait_dma2 semaphore(%run_scoped3A : memref<!tpu.dma_semaphore, #tpu.memory_space<semaphore_mem>>) src(%dma_wait3A_32 : memref<640x128xf32, #tpu.memory_space<hbm>>) dst(%dma_wait3A_30 : memref<640x128xf32, #tpu.memory_space<vmem_shared>>)
        tpu.yield
      }) : () -> ()
    } else {
    }
    %eq3A = arith.constant 15 : i32
    %eq3A_3 = arith.cmpi eq, %arg1, %eq3A : i32
    %convert_element_type3A_4 = arith.extui %eq3A_3 : i1 to i32
    %cond3A_5 = arith.constant 0 : i32
    %cond3A_6 = arith.cmpi ne, %convert_element_type3A_4, %cond3A_5 : i32
    scf.if %cond3A_6 {
      "tpu.region"() ({
        %run_scoped3A = tpu.sem_alloc : memref<!tpu.dma_semaphore, #tpu.memory_space<semaphore_mem>>
        %dma_start3A = arith.constant 9600 : i32
        %dma_start3A_23 = arith.constant 0 : i32
        %dma_start3A_24 = tpu.memref_slice %arg9[%dma_start3A, %dma_start3A_23] : memref<10128x128xf32, #tpu.memory_space<vmem_shared>> -> memref<400x128xf32, #tpu.memory_space<vmem_shared>>
        %dma_start3A_25 = arith.constant 9600 : i32
        %dma_start3A_26 = arith.constant 0 : i32
        %dma_start3A_27 = tpu.memref_slice %arg2[%dma_start3A_25, %dma_start3A_26] : memref<10000x128xf32, #tpu.memory_space<hbm>> -> memref<400x128xf32, #tpu.memory_space<hbm>>
        tpu.enqueue_dma source(%dma_start3A_27 : memref<400x128xf32, #tpu.memory_space<hbm>>) target(%dma_start3A_24 : memref<400x128xf32, #tpu.memory_space<vmem_shared>>) target_semaphore(%run_scoped3A : memref<!tpu.dma_semaphore, #tpu.memory_space<semaphore_mem>>)
        %dma_wait3A = arith.constant 9600 : i32
        %dma_wait3A_28 = arith.constant 0 : i32
        %dma_wait3A_29 = tpu.memref_slice %arg9[%dma_wait3A, %dma_wait3A_28] : memref<10128x128xf32, #tpu.memory_space<vmem_shared>> -> memref<400x128xf32, #tpu.memory_space<vmem_shared>>
        %dma_wait3A_30 = arith.constant 9600 : i32
        %dma_wait3A_31 = arith.constant 0 : i32
        %dma_wait3A_32 = tpu.memref_slice %arg2[%dma_wait3A_30, %dma_wait3A_31] : memref<10000x128xf32, #tpu.memory_space<hbm>> -> memref<400x128xf32, #tpu.memory_space<hbm>>
        tpu.wait_dma2 semaphore(%run_scoped3A : memref<!tpu.dma_semaphore, #tpu.memory_space<semaphore_mem>>) src(%dma_wait3A_32 : memref<400x128xf32, #tpu.memory_space<hbm>>) dst(%dma_wait3A_29 : memref<400x128xf32, #tpu.memory_space<vmem_shared>>)
        tpu.yield
      }) : () -> ()
    } else {
    }
    %barrier3A = arith.constant 0 : index
    tpu.barrier barrier_id(%barrier3A)
    %scan3A = arith.constant 0 : i32
    %scan3A_7 = arith.constant 0 : i32
    %scan3A_8 = arith.constant 79 : i32
    %scan3A_9 = arith.addi %scan3A_7, %scan3A_8 : i32
    %scan3A_10 = arith.constant 1 : i32
    scf.for %scan3A_23 = %scan3A_7 to %scan3A_9 step %scan3A_10  : i32 {
      "tpu.region"() ({
        %run_scoped3A = tpu.sem_alloc : memref<!tpu.dma_semaphore, #tpu.memory_space<semaphore_mem>>
        %dma_start3A = arith.constant 0 : i32
        %dma_start3A_24 = tpu.memref_slice %arg6[%scan3A_23, %dma_start3A] : memref<79x128xi32, #tpu.memory_space<vmem>> -> memref<1x128xi32, #tpu.memory_space<vmem>>
        %dma_start3A_25 = tpu.memref_squeeze %dma_start3A_24 : memref<1x128xi32, #tpu.memory_space<vmem>> -> memref<128xi32, #tpu.memory_space<vmem>>
        %dma_start3A_26 = arith.constant 0 : i32
        %dma_start3A_27 = arith.constant 0 : i32
        %dma_start3A_28 = tpu.memref_slice %arg2[%dma_start3A_26, %dma_start3A_27] : memref<10000x128xf32, #tpu.memory_space<hbm>> -> memref<10000x128xf32, #tpu.memory_space<hbm>>
        tpu.enqueue_indirect_dma source(%dma_start3A_28 : memref<10000x128xf32, #tpu.memory_space<hbm>>) target(%arg8 : memref<128x128xf32, #tpu.memory_space<vmem>>) offsets(%dma_start3A_25 : memref<128xi32, #tpu.memory_space<vmem>>) semaphore(%run_scoped3A : memref<!tpu.dma_semaphore, #tpu.memory_space<semaphore_mem>>)
        %dma_wait3A = arith.constant 0 : i32
        %dma_wait3A_29 = tpu.memref_slice %arg6[%scan3A_23, %dma_wait3A] : memref<79x128xi32, #tpu.memory_space<vmem>> -> memref<1x128xi32, #tpu.memory_space<vmem>>
        %dma_wait3A_30 = tpu.memref_squeeze %dma_wait3A_29 : memref<1x128xi32, #tpu.memory_space<vmem>> -> memref<128xi32, #tpu.memory_space<vmem>>
        %dma_wait3A_31 = arith.constant 0 : i32
        %dma_wait3A_32 = arith.constant 0 : i32
        %dma_wait3A_33 = tpu.memref_slice %arg2[%dma_wait3A_31, %dma_wait3A_32] : memref<10000x128xf32, #tpu.memory_space<hbm>> -> memref<10000x128xf32, #tpu.memory_space<hbm>>
        tpu.wait_indirect_dma semaphore(%run_scoped3A : memref<!tpu.dma_semaphore, #tpu.memory_space<semaphore_mem>>) src(%dma_wait3A_33 : memref<10000x128xf32, #tpu.memory_space<hbm>>) dst(%arg8 : memref<128x128xf32, #tpu.memory_space<vmem>>)
        tpu.yield
      }) : () -> ()
      "tpu.region"() ({
        %run_scoped3A = tpu.sem_alloc : memref<!tpu.dma_semaphore, #tpu.memory_space<semaphore_mem>>
        %dma_start3A = arith.constant 0 : i32
        %dma_start3A_24 = tpu.memref_slice %arg7[%scan3A_23, %dma_start3A] : memref<79x128xi32, #tpu.memory_space<vmem>> -> memref<1x128xi32, #tpu.memory_space<vmem>>
        %dma_start3A_25 = tpu.memref_squeeze %dma_start3A_24 : memref<1x128xi32, #tpu.memory_space<vmem>> -> memref<128xi32, #tpu.memory_space<vmem>>
        %dma_start3A_26 = arith.constant 0 : i32
        %dma_start3A_27 = arith.constant 0 : i32
        %dma_start3A_28 = tpu.memref_slice %arg9[%dma_start3A_26, %dma_start3A_27] : memref<10128x128xf32, #tpu.memory_space<vmem_shared>> -> memref<10128x128xf32, #tpu.memory_space<vmem_shared>>
        tpu.enqueue_indirect_dma source(%arg8 : memref<128x128xf32, #tpu.memory_space<vmem>>) target(%dma_start3A_28 : memref<10128x128xf32, #tpu.memory_space<vmem_shared>>) offsets(%dma_start3A_25 : memref<128xi32, #tpu.memory_space<vmem>>) semaphore(%run_scoped3A : memref<!tpu.dma_semaphore, #tpu.memory_space<semaphore_mem>>) {add = true}
        %dma_wait3A = arith.constant 0 : i32
        %dma_wait3A_29 = tpu.memref_slice %arg7[%scan3A_23, %dma_wait3A] : memref<79x128xi32, #tpu.memory_space<vmem>> -> memref<1x128xi32, #tpu.memory_space<vmem>>
        %dma_wait3A_30 = tpu.memref_squeeze %dma_wait3A_29 : memref<1x128xi32, #tpu.memory_space<vmem>> -> memref<128xi32, #tpu.memory_space<vmem>>
        %dma_wait3A_31 = arith.constant 0 : i32
        %dma_wait3A_32 = arith.constant 0 : i32
        %dma_wait3A_33 = tpu.memref_slice %arg9[%dma_wait3A_31, %dma_wait3A_32] : memref<10128x128xf32, #tpu.memory_space<vmem_shared>> -> memref<10128x128xf32, #tpu.memory_space<vmem_shared>>
        tpu.wait_indirect_dma semaphore(%run_scoped3A : memref<!tpu.dma_semaphore, #tpu.memory_space<semaphore_mem>>) src(%arg8 : memref<128x128xf32, #tpu.memory_space<vmem>>) dst(%dma_wait3A_33 : memref<10128x128xf32, #tpu.memory_space<vmem_shared>>)
        tpu.yield
      }) : () -> ()
    }
    %scan3A_11 = arith.constant 79 : i32
    %barrier3A_12 = arith.constant 0 : index
    tpu.barrier barrier_id(%barrier3A_12)
    %lt3A_13 = arith.constant 15 : i32
    %lt3A_14 = arith.cmpi slt, %arg1, %lt3A_13 : i32
    %convert_element_type3A_15 = arith.extui %lt3A_14 : i1 to i32
    %cond3A_16 = arith.constant 0 : i32
    %cond3A_17 = arith.cmpi ne, %convert_element_type3A_15, %cond3A_16 : i32
    scf.if %cond3A_17 {
      %mul3A_23 = arith.constant 640 : i32
      %mul3A_24 = arith.muli %arg1, %mul3A_23 : i32
      %mul3A_25 = arith.constant 640 : i32
      %mul3A_26 = arith.muli %arg1, %mul3A_25 : i32
      "tpu.region"() ({
        %run_scoped3A = tpu.sem_alloc : memref<!tpu.dma_semaphore, #tpu.memory_space<semaphore_mem>>
        %dma_start3A = arith.constant 0 : i32
        %dma_start3A_27 = arith.constant 0 : i32
        %dma_start3A_28 = tpu.memref_slice %arg5[%arg0, %dma_start3A, %dma_start3A_27] : memref<2x10000x128xf32, #tpu.memory_space<hbm>> -> memref<1x10000x128xf32, #tpu.memory_space<hbm>>
        %dma_start3A_29 = tpu.memref_squeeze %dma_start3A_28 : memref<1x10000x128xf32, #tpu.memory_space<hbm>> -> memref<10000x128xf32, #tpu.memory_space<hbm>>
        %dma_start3A_30 = arith.constant 0 : i32
        %dma_start3A_31 = tpu.memref_slice %dma_start3A_29[%mul3A_26, %dma_start3A_30] : memref<10000x128xf32, #tpu.memory_space<hbm>> -> memref<640x128xf32, #tpu.memory_space<hbm>>
        %dma_start3A_32 = arith.constant 0 : i32
        %dma_start3A_33 = tpu.memref_slice %arg9[%mul3A_24, %dma_start3A_32] : memref<10128x128xf32, #tpu.memory_space<vmem_shared>> -> memref<640x128xf32, #tpu.memory_space<vmem_shared>>
        tpu.enqueue_dma source(%dma_start3A_33 : memref<640x128xf32, #tpu.memory_space<vmem_shared>>) target(%dma_start3A_31 : memref<640x128xf32, #tpu.memory_space<hbm>>) target_semaphore(%run_scoped3A : memref<!tpu.dma_semaphore, #tpu.memory_space<semaphore_mem>>)
        %dma_wait3A = arith.constant 0 : i32
        %dma_wait3A_34 = arith.constant 0 : i32
        %dma_wait3A_35 = tpu.memref_slice %arg5[%arg0, %dma_wait3A, %dma_wait3A_34] : memref<2x10000x128xf32, #tpu.memory_space<hbm>> -> memref<1x10000x128xf32, #tpu.memory_space<hbm>>
        %dma_wait3A_36 = tpu.memref_squeeze %dma_wait3A_35 : memref<1x10000x128xf32, #tpu.memory_space<hbm>> -> memref<10000x128xf32, #tpu.memory_space<hbm>>
        %dma_wait3A_37 = arith.constant 0 : i32
        %dma_wait3A_38 = tpu.memref_slice %dma_wait3A_36[%mul3A_26, %dma_wait3A_37] : memref<10000x128xf32, #tpu.memory_space<hbm>> -> memref<640x128xf32, #tpu.memory_space<hbm>>
        %dma_wait3A_39 = arith.constant 0 : i32
        %dma_wait3A_40 = tpu.memref_slice %arg9[%mul3A_24, %dma_wait3A_39] : memref<10128x128xf32, #tpu.memory_space<vmem_shared>> -> memref<640x128xf32, #tpu.memory_space<vmem_shared>>
        tpu.wait_dma2 semaphore(%run_scoped3A : memref<!tpu.dma_semaphore, #tpu.memory_space<semaphore_mem>>) src(%dma_wait3A_40 : memref<640x128xf32, #tpu.memory_space<vmem_shared>>) dst(%dma_wait3A_38 : memref<640x128xf32, #tpu.memory_space<hbm>>)
        tpu.yield
      }) : () -> ()
    } else {
    }
    %eq3A_18 = arith.constant 15 : i32
    %eq3A_19 = arith.cmpi eq, %arg1, %eq3A_18 : i32
    %convert_element_type3A_20 = arith.extui %eq3A_19 : i1 to i32
    %cond3A_21 = arith.constant 0 : i32
    %cond3A_22 = arith.cmpi ne, %convert_element_type3A_20, %cond3A_21 : i32
    scf.if %cond3A_22 {
      "tpu.region"() ({
        %run_scoped3A = tpu.sem_alloc : memref<!tpu.dma_semaphore, #tpu.memory_space<semaphore_mem>>
        %dma_start3A = arith.constant 0 : i32
        %dma_start3A_23 = arith.constant 0 : i32
        %dma_start3A_24 = tpu.memref_slice %arg5[%arg0, %dma_start3A, %dma_start3A_23] : memref<2x10000x128xf32, #tpu.memory_space<hbm>> -> memref<1x10000x128xf32, #tpu.memory_space<hbm>>
        %dma_start3A_25 = tpu.memref_squeeze %dma_start3A_24 : memref<1x10000x128xf32, #tpu.memory_space<hbm>> -> memref<10000x128xf32, #tpu.memory_space<hbm>>
        %dma_start3A_26 = arith.constant 9600 : i32
        %dma_start3A_27 = arith.constant 0 : i32
        %dma_start3A_28 = tpu.memref_slice %dma_start3A_25[%dma_start3A_26, %dma_start3A_27] : memref<10000x128xf32, #tpu.memory_space<hbm>> -> memref<400x128xf32, #tpu.memory_space<hbm>>
        %dma_start3A_29 = arith.constant 9600 : i32
        %dma_start3A_30 = arith.constant 0 : i32
        %dma_start3A_31 = tpu.memref_slice %arg9[%dma_start3A_29, %dma_start3A_30] : memref<10128x128xf32, #tpu.memory_space<vmem_shared>> -> memref<400x128xf32, #tpu.memory_space<vmem_shared>>
        tpu.enqueue_dma source(%dma_start3A_31 : memref<400x128xf32, #tpu.memory_space<vmem_shared>>) target(%dma_start3A_28 : memref<400x128xf32, #tpu.memory_space<hbm>>) target_semaphore(%run_scoped3A : memref<!tpu.dma_semaphore, #tpu.memory_space<semaphore_mem>>)
        %dma_wait3A = arith.constant 0 : i32
        %dma_wait3A_32 = arith.constant 0 : i32
        %dma_wait3A_33 = tpu.memref_slice %arg5[%arg0, %dma_wait3A, %dma_wait3A_32] : memref<2x10000x128xf32, #tpu.memory_space<hbm>> -> memref<1x10000x128xf32, #tpu.memory_space<hbm>>
        %dma_wait3A_34 = tpu.memref_squeeze %dma_wait3A_33 : memref<1x10000x128xf32, #tpu.memory_space<hbm>> -> memref<10000x128xf32, #tpu.memory_space<hbm>>
        %dma_wait3A_35 = arith.constant 9600 : i32
        %dma_wait3A_36 = arith.constant 0 : i32
        %dma_wait3A_37 = tpu.memref_slice %dma_wait3A_34[%dma_wait3A_35, %dma_wait3A_36] : memref<10000x128xf32, #tpu.memory_space<hbm>> -> memref<400x128xf32, #tpu.memory_space<hbm>>
        %dma_wait3A_38 = arith.constant 9600 : i32
        %dma_wait3A_39 = arith.constant 0 : i32
        %dma_wait3A_40 = tpu.memref_slice %arg9[%dma_wait3A_38, %dma_wait3A_39] : memref<10128x128xf32, #tpu.memory_space<vmem_shared>> -> memref<400x128xf32, #tpu.memory_space<vmem_shared>>
        tpu.wait_dma2 semaphore(%run_scoped3A : memref<!tpu.dma_semaphore, #tpu.memory_space<semaphore_mem>>) src(%dma_wait3A_40 : memref<400x128xf32, #tpu.memory_space<vmem_shared>>) dst(%dma_wait3A_37 : memref<400x128xf32, #tpu.memory_space<hbm>>)
        tpu.yield
      }) : () -> ()
    } else {
    }
    return
  }
}

module attributes {stable_mosaic.version = 14 : i64} {
  func.func @_tc1_body(%arg0: i32, %arg1: memref<1000x128xf32, #tpu.memory_space<vmem>>, %arg2: memref<128x128xf32, #tpu.memory_space<vmem>>, %arg3: memref<1000x128xf32, #tpu.memory_space<vmem>>, %arg4: memref<1000x128xf32, #tpu.memory_space<vmem>>, %arg5: memref<1000x128xf32, #tpu.memory_space<vmem>>, %arg6: memref<1000x1xf32, #tpu.memory_space<vmem>>) attributes {dimension_semantics = [#tpu.dimension_semantics<arbitrary>], iteration_bounds = array<i64: 10>, scalar_prefetch = 0 : i64, scratch_operands = 0 : i64, tpu.core_type = #tpu.core_type<tc>, window_params = [{transform_indices = @transform_0, window_bounds = array<i64: 1000, 128>}, {pipeline_mode = #tpu.pipeline_mode<synchronous>, transform_indices = @transform_1, window_bounds = array<i64: 128, 128>}, {transform_indices = @transform_2, window_bounds = array<i64: 1000, 128>}, {transform_indices = @transform_3, window_bounds = array<i64: 1000, 128>}, {transform_indices = @transform_4, window_bounds = array<i64: 1000, 128>}, {transform_indices = @transform_5, window_bounds = array<i64: 1000, 1>}]} {
    %get3A = arith.constant 0 : index
    %get3A_0 = arith.constant 0 : index
    %get3A_1 = vector.load %arg3[%get3A, %get3A_0] : memref<1000x128xf32, #tpu.memory_space<vmem>>, vector<1000x1xf32>
    %get3A_2 = arith.constant 0 : index
    %get3A_3 = arith.constant 0 : index
    %get3A_4 = vector.load %arg4[%get3A_2, %get3A_3] : memref<1000x128xf32, #tpu.memory_space<vmem>>, vector<1000x1xf32>
    %add3A = arith.addf %get3A_1, %get3A_4 : vector<1000x1xf32>
    %add3A_5 = arith.constant 1.000000e+00 : f32
    %add3A_6 = vector.broadcast %add3A_5 : f32 to vector<1000x1xf32>
    %add3A_7 = arith.addf %add3A, %add3A_6 : vector<1000x1xf32>
    %rsqrt3A = math.rsqrt %add3A_7 : vector<1000x1xf32>
    %get3A_8 = arith.constant 0 : index
    %get3A_9 = arith.constant 0 : index
    %get3A_10 = vector.load %arg1[%get3A_8, %get3A_9] : memref<1000x128xf32, #tpu.memory_space<vmem>>, vector<1000x128xf32>
    %get3A_11 = arith.constant 0 : index
    %get3A_12 = arith.constant 0 : index
    %get3A_13 = vector.load %arg2[%get3A_11, %get3A_12] : memref<128x128xf32, #tpu.memory_space<vmem>>, vector<128x128xf32>
    %dot_general3A = arith.constant dense<0.000000e+00> : vector<1000x128xf32>
    %dot_general3A_14 = tpu.matmul %get3A_10, %get3A_13, %dot_general3A {dimension_numbers = #tpu.dot_dimension_numbers<[1], [0], [0], [1], [0, 0, 1, 1], [], []>, transpose_lhs_hint = false} : vector<1000x128xf32>, vector<128x128xf32>, vector<1000x128xf32> -> vector<1000x128xf32>
    %mul3A = vector.broadcast %rsqrt3A : vector<1000x1xf32> to vector<1000x128xf32>
    %mul3A_15 = arith.mulf %dot_general3A_14, %mul3A : vector<1000x128xf32>
    %swap3A = arith.constant 0 : index
    %swap3A_16 = arith.constant 0 : index
    %swap3A_17 = vector.load %arg5[%swap3A, %swap3A_16] : memref<1000x128xf32, #tpu.memory_space<vmem>>, vector<1000x128xf32>
    tpu.vector_store %arg5[%swap3A, %swap3A_16], %mul3A_15 {strides = array<i32>} : memref<1000x128xf32, #tpu.memory_space<vmem>>, vector<1000x128xf32>,
    %swap3A_18 = arith.constant 0 : index
    %swap3A_19 = arith.constant 0 : index
    %swap3A_20 = vector.load %arg6[%swap3A_18, %swap3A_19] : memref<1000x1xf32, #tpu.memory_space<vmem>>, vector<1000x1xf32>
    tpu.vector_store %arg6[%swap3A_18, %swap3A_19], %rsqrt3A {strides = array<i32>} : memref<1000x1xf32, #tpu.memory_space<vmem>>, vector<1000x1xf32>,
    return
  }
  func.func @transform_0(%arg0: i32) -> (i32, i32) {
    %c0_i32 = arith.constant 0 : i32
    %c0_i32_0 = arith.constant 0 : i32
    return %arg0, %c0_i32 : i32, i32
  }
  func.func @transform_1(%arg0: i32) -> (i32, i32) {
    %c0_i32 = arith.constant 0 : i32
    %c0_i32_0 = arith.constant 0 : i32
    %c0_i32_1 = arith.constant 0 : i32
    return %c0_i32, %c0_i32_0 : i32, i32
  }
  func.func @transform_2(%arg0: i32) -> (i32, i32) {
    %c0_i32 = arith.constant 0 : i32
    %c0_i32_0 = arith.constant 0 : i32
    return %arg0, %c0_i32 : i32, i32
  }
  func.func @transform_3(%arg0: i32) -> (i32, i32) {
    %c0_i32 = arith.constant 0 : i32
    %c0_i32_0 = arith.constant 0 : i32
    return %arg0, %c0_i32 : i32, i32
  }
  func.func @transform_4(%arg0: i32) -> (i32, i32) {
    %c0_i32 = arith.constant 0 : i32
    %c0_i32_0 = arith.constant 0 : i32
    return %arg0, %c0_i32 : i32, i32
  }
  func.func @transform_5(%arg0: i32) -> (i32, i32) {
    %c0_i32 = arith.constant 0 : i32
    %c0_i32_0 = arith.constant 0 : i32
    return %arg0, %c0_i32 : i32, i32
  }
}

module attributes {stable_mosaic.version = 14 : i64} {
  func.func @_tc2_body(%arg0: i32, %arg1: memref<1000x128xf32, #tpu.memory_space<vmem>>, %arg2: memref<1000x128xf32, #tpu.memory_space<vmem>>, %arg3: memref<1000x128xf32, #tpu.memory_space<vmem>>, %arg4: memref<1000x1xf32, #tpu.memory_space<vmem>>, %arg5: memref<1x128xf32, #tpu.memory_space<vmem>>, %arg6: memref<1000x128xf32, #tpu.memory_space<vmem>>) attributes {dimension_semantics = [#tpu.dimension_semantics<arbitrary>], iteration_bounds = array<i64: 10>, scalar_prefetch = 0 : i64, scratch_operands = 0 : i64, tpu.core_type = #tpu.core_type<tc>, window_params = [{transform_indices = @transform_0, window_bounds = array<i64: 1000, 128>}, {transform_indices = @transform_1, window_bounds = array<i64: 1000, 128>}, {transform_indices = @transform_2, window_bounds = array<i64: 1000, 128>}, {transform_indices = @transform_3, window_bounds = array<i64: 1000, 1>}, {pipeline_mode = #tpu.pipeline_mode<synchronous>, transform_indices = @transform_4, window_bounds = array<i64: 1, 128>}, {transform_indices = @transform_5, window_bounds = array<i64: 1000, 128>}]} {
    %get3A = arith.constant 0 : index
    %get3A_0 = arith.constant 0 : index
    %get3A_1 = vector.load %arg4[%get3A, %get3A_0] : memref<1000x1xf32, #tpu.memory_space<vmem>>, vector<1000x1xf32>
    %get3A_2 = arith.constant 0 : index
    %get3A_3 = arith.constant 0 : index
    %get3A_4 = vector.load %arg1[%get3A_2, %get3A_3] : memref<1000x128xf32, #tpu.memory_space<vmem>>, vector<1000x128xf32>
    %get3A_5 = arith.constant 0 : index
    %get3A_6 = arith.constant 0 : index
    %get3A_7 = vector.load %arg2[%get3A_5, %get3A_6] : memref<1000x128xf32, #tpu.memory_space<vmem>>, vector<1000x128xf32>
    %add3A = arith.addf %get3A_4, %get3A_7 : vector<1000x128xf32>
    %get3A_8 = arith.constant 0 : index
    %get3A_9 = arith.constant 0 : index
    %get3A_10 = vector.load %arg3[%get3A_8, %get3A_9] : memref<1000x128xf32, #tpu.memory_space<vmem>>, vector<1000x128xf32>
    %sub3A = arith.subf %add3A, %get3A_10 : vector<1000x128xf32>
    %mul3A = vector.broadcast %get3A_1 : vector<1000x1xf32> to vector<1000x128xf32>
    %mul3A_11 = arith.mulf %mul3A, %sub3A : vector<1000x128xf32>
    %get3A_12 = arith.constant 0 : index
    %get3A_13 = arith.constant 0 : index
    %get3A_14 = vector.load %arg5[%get3A_12, %get3A_13] : memref<1x128xf32, #tpu.memory_space<vmem>>, vector<1x128xf32>
    %add3A_15 = vector.broadcast %get3A_14 : vector<1x128xf32> to vector<1000x128xf32>
    %add3A_16 = arith.addf %mul3A_11, %add3A_15 : vector<1000x128xf32>
    %max3A = arith.constant 0.000000e+00 : f32
    %max3A_17 = vector.broadcast %max3A : f32 to vector<1000x128xf32>
    %max3A_18 = arith.maximumf %add3A_16, %max3A_17 : vector<1000x128xf32>
    %mul3A_19 = vector.broadcast %get3A_1 : vector<1000x1xf32> to vector<1000x128xf32>
    %mul3A_20 = arith.mulf %mul3A_19, %max3A_18 : vector<1000x128xf32>
    %swap3A = arith.constant 0 : index
    %swap3A_21 = arith.constant 0 : index
    %swap3A_22 = vector.load %arg6[%swap3A, %swap3A_21] : memref<1000x128xf32, #tpu.memory_space<vmem>>, vector<1000x128xf32>
    tpu.vector_store %arg6[%swap3A, %swap3A_21], %mul3A_20 {strides = array<i32>} : memref<1000x128xf32, #tpu.memory_space<vmem>>, vector<1000x128xf32>,
    return
  }
  func.func @transform_0(%arg0: i32) -> (i32, i32) {
    %c0_i32 = arith.constant 0 : i32
    %c0_i32_0 = arith.constant 0 : i32
    return %arg0, %c0_i32 : i32, i32
  }
  func.func @transform_1(%arg0: i32) -> (i32, i32) {
    %c0_i32 = arith.constant 0 : i32
    %c0_i32_0 = arith.constant 0 : i32
    return %arg0, %c0_i32 : i32, i32
  }
  func.func @transform_2(%arg0: i32) -> (i32, i32) {
    %c0_i32 = arith.constant 0 : i32
    %c0_i32_0 = arith.constant 0 : i32
    return %arg0, %c0_i32 : i32, i32
  }
  func.func @transform_3(%arg0: i32) -> (i32, i32) {
    %c0_i32 = arith.constant 0 : i32
    %c0_i32_0 = arith.constant 0 : i32
    return %arg0, %c0_i32 : i32, i32
  }
  func.func @transform_4(%arg0: i32) -> (i32, i32) {
    %c0_i32 = arith.constant 0 : i32
    %c0_i32_0 = arith.constant 0 : i32
    %c0_i32_1 = arith.constant 0 : i32
    return %c0_i32, %c0_i32_0 : i32, i32
  }
  func.func @transform_5(%arg0: i32) -> (i32, i32) {
    %c0_i32 = arith.constant 0 : i32
    %c0_i32_0 = arith.constant 0 : i32
    return %arg0, %c0_i32 : i32, i32
  }
}

module attributes {stable_mosaic.version = 14 : i64} {
  func.func @_tc3_body(%arg0: i32, %arg1: memref<1000x128xf32, #tpu.memory_space<vmem>>, %arg2: memref<1000x128xf32, #tpu.memory_space<vmem>>, %arg3: memref<1000x128xf32, #tpu.memory_space<vmem>>, %arg4: memref<1000x1xf32, #tpu.memory_space<vmem>>, %arg5: memref<1x16xf32, #tpu.memory_space<vmem>>, %arg6: memref<128x16xf32, #tpu.memory_space<vmem>>, %arg7: memref<1000x16xf32, #tpu.memory_space<vmem>>) attributes {dimension_semantics = [#tpu.dimension_semantics<arbitrary>], iteration_bounds = array<i64: 10>, scalar_prefetch = 0 : i64, scratch_operands = 0 : i64, tpu.core_type = #tpu.core_type<tc>, window_params = [{transform_indices = @transform_0, window_bounds = array<i64: 1000, 128>}, {transform_indices = @transform_1, window_bounds = array<i64: 1000, 128>}, {transform_indices = @transform_2, window_bounds = array<i64: 1000, 128>}, {transform_indices = @transform_3, window_bounds = array<i64: 1000, 1>}, {pipeline_mode = #tpu.pipeline_mode<synchronous>, transform_indices = @transform_4, window_bounds = array<i64: 1, 16>}, {pipeline_mode = #tpu.pipeline_mode<synchronous>, transform_indices = @transform_5, window_bounds = array<i64: 128, 16>}, {transform_indices = @transform_6, window_bounds = array<i64: 1000, 16>}]} {
    %get3A = arith.constant 0 : index
    %get3A_0 = arith.constant 0 : index
    %get3A_1 = vector.load %arg4[%get3A, %get3A_0] : memref<1000x1xf32, #tpu.memory_space<vmem>>, vector<1000x1xf32>
    %get3A_2 = arith.constant 0 : index
    %get3A_3 = arith.constant 0 : index
    %get3A_4 = vector.load %arg1[%get3A_2, %get3A_3] : memref<1000x128xf32, #tpu.memory_space<vmem>>, vector<1000x128xf32>
    %get3A_5 = arith.constant 0 : index
    %get3A_6 = arith.constant 0 : index
    %get3A_7 = vector.load %arg2[%get3A_5, %get3A_6] : memref<1000x128xf32, #tpu.memory_space<vmem>>, vector<1000x128xf32>
    %add3A = arith.addf %get3A_4, %get3A_7 : vector<1000x128xf32>
    %get3A_8 = arith.constant 0 : index
    %get3A_9 = arith.constant 0 : index
    %get3A_10 = vector.load %arg3[%get3A_8, %get3A_9] : memref<1000x128xf32, #tpu.memory_space<vmem>>, vector<1000x128xf32>
    %sub3A = arith.subf %add3A, %get3A_10 : vector<1000x128xf32>
    %mul3A = vector.broadcast %get3A_1 : vector<1000x1xf32> to vector<1000x128xf32>
    %mul3A_11 = arith.mulf %mul3A, %sub3A : vector<1000x128xf32>
    %get3A_12 = arith.constant 0 : index
    %get3A_13 = arith.constant 0 : index
    %get3A_14 = vector.load %arg6[%get3A_12, %get3A_13] : memref<128x16xf32, #tpu.memory_space<vmem>>, vector<128x16xf32>
    %dot_general3A = arith.constant dense<0.000000e+00> : vector<1000x16xf32>
    %dot_general3A_15 = tpu.matmul %mul3A_11, %get3A_14, %dot_general3A {dimension_numbers = #tpu.dot_dimension_numbers<[1], [0], [0], [1], [0, 0, 1, 1], [], []>, transpose_lhs_hint = false} : vector<1000x128xf32>, vector<128x16xf32>, vector<1000x16xf32> -> vector<1000x16xf32>
    %get3A_16 = arith.constant 0 : index
    %get3A_17 = arith.constant 0 : index
    %get3A_18 = vector.load %arg5[%get3A_16, %get3A_17] : memref<1x16xf32, #tpu.memory_space<vmem>>, vector<1x16xf32>
    %add3A_19 = vector.broadcast %get3A_18 : vector<1x16xf32> to vector<1000x16xf32>
    %add3A_20 = arith.addf %dot_general3A_15, %add3A_19 : vector<1000x16xf32>
    %logistic3A = arith.negf %add3A_20 : vector<1000x16xf32>
    %logistic3A_21 = math.exp %logistic3A : vector<1000x16xf32>
    %logistic3A_22 = arith.constant 1.000000e+00 : f32
    %logistic3A_23 = vector.broadcast %logistic3A_22 : f32 to vector<1000x16xf32>
    %logistic3A_24 = arith.addf %logistic3A_23, %logistic3A_21 : vector<1000x16xf32>
    %logistic3A_25 = arith.divf %logistic3A_23, %logistic3A_24 : vector<1000x16xf32>
    %swap3A = arith.constant 0 : index
    %swap3A_26 = arith.constant 0 : index
    %swap3A_27 = vector.load %arg7[%swap3A, %swap3A_26] : memref<1000x16xf32, #tpu.memory_space<vmem>>, vector<1000x16xf32>
    tpu.vector_store %arg7[%swap3A, %swap3A_26], %logistic3A_25 {strides = array<i32>} : memref<1000x16xf32, #tpu.memory_space<vmem>>, vector<1000x16xf32>,
    return
  }
  func.func @transform_0(%arg0: i32) -> (i32, i32) {
    %c0_i32 = arith.constant 0 : i32
    %c0_i32_0 = arith.constant 0 : i32
    return %arg0, %c0_i32 : i32, i32
  }
  func.func @transform_1(%arg0: i32) -> (i32, i32) {
    %c0_i32 = arith.constant 0 : i32
    %c0_i32_0 = arith.constant 0 : i32
    return %arg0, %c0_i32 : i32, i32
  }
  func.func @transform_2(%arg0: i32) -> (i32, i32) {
    %c0_i32 = arith.constant 0 : i32
    %c0_i32_0 = arith.constant 0 : i32
    return %arg0, %c0_i32 : i32, i32
  }
  func.func @transform_3(%arg0: i32) -> (i32, i32) {
    %c0_i32 = arith.constant 0 : i32
    %c0_i32_0 = arith.constant 0 : i32
    return %arg0, %c0_i32 : i32, i32
  }
  func.func @transform_4(%arg0: i32) -> (i32, i32) {
    %c0_i32 = arith.constant 0 : i32
    %c0_i32_0 = arith.constant 0 : i32
    %c0_i32_1 = arith.constant 0 : i32
    return %c0_i32, %c0_i32_0 : i32, i32
  }
  func.func @transform_5(%arg0: i32) -> (i32, i32) {
    %c0_i32 = arith.constant 0 : i32
    %c0_i32_0 = arith.constant 0 : i32
    %c0_i32_1 = arith.constant 0 : i32
    return %c0_i32, %c0_i32_0 : i32, i32
  }
  func.func @transform_6(%arg0: i32) -> (i32, i32) {
    %c0_i32 = arith.constant 0 : i32
    %c0_i32_0 = arith.constant 0 : i32
    return %arg0, %c0_i32 : i32, i32
  }
}

</mosaic_0001>

<sc_bundles>
// kernel: gcn_degree_sc.3.cloned.1.call-start
scs
__scs_entry_jumppad:
0x0: {  	(pc) =	sbr.rel $0x88, $3  }
0x1: {  	(tag) =	ssettag $0x0;
	lr =	simm.s32 $0x1  }
0x2: {  	[smem:$0x3F9B] =	sst lr;
	_ =	strace $0xD0000000  }
0x3: {  	_ = 	snop  }
0x4: {  	_ = 	snop  }
0x5: {  	_ = 	snop  }
0x6: {  	_ = 	snop  }
0x7: {  	_ = 	snop  }
__scs_overlays_trampoline_lowered:
0x8: {  	[smem:$0x3FAA] =	sst s0  }
0x9: {  	[smem:$0x3FAB] =	sst s1  }
0xa: {  	[smem:$0x3FAC] =	sst s2  }
0xb: {  	[smem:$0x3FAD] =	sst s3  }
0xc: {  	[smem:$0x3FAE] =	sst s4  }
0xd: {  	[smem:$0x3FAF] =	sst s5  }
0xe: {  	[smem:$0x3FB0] =	sst s6  }
0xf: {  	[smem:$0x3FB1] =	sst s7  }
0x10: {  	[smem:$0x3FB2] =	sst s8  }
0x11: {  	[smem:$0x3FB3] =	sst s9;
	s0 =	simm.s32 @!p0 $0x0  }
0x12: {  	s1 =	sld [smem:$0x3F99];
	s0 =	simm.s32 @p0 $0x1  }
0x13: {  	[smem:$0x3FB4] =	sst s0;
	s0 =	simm.s32 @!p1 $0x0  }
0x14: {  	s2 =	sld [smem:$0x3F98];
	s0 =	simm.s32 @p1 $0x1  }
0x15: {  	[smem:$0x3FB5] =	sst s0;
	s0 =	simm.s32 @!p2 $0x0  }
0x16: {  	s3 =	sld [smem:$0x3FDB];
	s0 =	simm.s32 @p2 $0x1  }
0x17: {  	s4 =	simm.s32 $0x1BF5;
	[smem:$0x3FB7] =	sst s0  }
0x18: {  	s0 =	sld [smem:$0x3F9A];
	_ =	swait.ge [sflag:s4], $0x0  }
0x19: {  	s7 =	sld [smem:$0x3F9B]  }
0x1a: {  	s8 =	sadd.s32 $0xFFFFE003, lr  }
0x1b: {  	s9 =	sadd.s32 $0xFFFFFEF7, lr;
	s5 =	simm.s32 $0xFFFFFFFF;
	p2 =	slt.u32 s8, $0xFFFFF086  }
0x1c: {  	p1 =	slt.u32 s9, $0xF7A;
	s5 =	simm.s32 @!p2 $0x0  }
0x1d: {  	s5 =	simm.s32 @p1 $0x1;
	p0 =	seq.s32 s7, s2  }
0x1e: {  	s7 =	smul.u32 @!p0 $0xF7A, s2;
	p2 =	seq.s32 @!p0 s5, $0x0  }
0x1f: {  	s9 =	smul.u32 $0xF7A, s1;
	s8 =	simm.s32 @!p0 $0x1BF5;
	p2 =	por !p2, p0  }
0x20: {  	[sflag:s8] =	ssyncset.s32 @!p0 $0xFFFFF086;
	s6 =	sadd.s32 @!p0 s3, s7;
	s7 =	simm.s32 @!p0 $0x108  }
0x21: {  	s3 =	sadd.s32 s3, s9;
	s6 =	sadd.s32 @!p0 $0x88, s6;
	s7 =	simm.s32 @p2 $0x1082  }
0x22: {  	[simem:s7], [sflag:s8] =	dma.local @!p0 [hbm:s6], $0xF7A  }
0x23: {  	s9 =	sor.u32 $0xD0000000, s2;
	s6 =	simm.s32 $0x108;
	_ =	swait.ge @!p0 [sflag:s8], $0x0  }
0x24: {  	s3 =	sadd.s32 $0x88, s3;
	s6 =	simm.s32 @!p1 $0x1082;
	[sflag:s4] =	ssyncset.s32 $0xFFFFF086  }
0x25: {  	[simem:s6], [sflag:s4] =	dma.local [hbm:s3], $0xF7A  }
0x26: {  	[smem:$0x3F9B] =	sst s1;
	(tag) =	ssettag s2;
	_ =	strace s9  }
0x27: {  	s1 =	sld [smem:$0x3FAB]  }
0x28: {  	s2 =	sld [smem:$0x3FAC]  }
0x29: {  	s4 =	sld [smem:$0x3FAE]  }
0x2a: {  	p0 =	seq.s32 s5, $0x0;
	s5 =	sld [smem:$0x3FAF]  }
0x2b: {  	s6 =	sld [smem:$0x3FB0]  }
0x2c: {  	s7 =	sld [smem:$0x3FB1]  }
0x2d: {  	s3 =	simm.s32 $0x108;
	s8 =	sld [smem:$0x3FB2]  }
0x2e: {  	s3 =	simm.s32 @!p0 $0x1082;
	s9 =	sld [smem:$0x3FB3]  }
0x2f: {  	lr =	sadd.s32 s0, s3;
	s0 =	sld [smem:$0x3FAA]  }
0x30: {  	s3 =	sld [smem:$0x3FAD]  }
0x31: {  	[smem:$0x3FB6] =	sst s10  }
0x32: {  	s10 =	sld [smem:$0x3FB4];
	_ =	sdelay $0x3  }
0x33: {  	p0 =	seq.s32 s10, $0x1;
	s10 =	sld [smem:$0x3FB6];
	_ =	sdelay $0x3  }
0x34: {  	[smem:$0x3FB6] =	sst s10  }
0x35: {  	s10 =	sld [smem:$0x3FB5];
	_ =	sdelay $0x3  }
0x36: {  	p1 =	seq.s32 s10, $0x1;
	s10 =	sld [smem:$0x3FB6];
	_ =	sdelay $0x3  }
0x37: {  	[smem:$0x3FB6] =	sst s10  }
0x38: {  	s10 =	sld [smem:$0x3FB7]  }
0x39: {  	_ = 	snop;
	(pc) =	sbr.ind lr, $3  }
0x3a: {  	_ = 	snop  }
0x3b: {  	_ = 	snop  }
0x3c: {  	p2 =	seq.s32 s10, $0x1;
	s10 =	sld [smem:$0x3FB6]  }
0x3d: {  	_ =	shalt  }
0x3e: {  	_ =	shalt  }
0x3f: {  	_ =	shalt  }
0x40: {  	_ =	shalt  }
0x41: {  	_ =	shalt  }
0x42: {  	_ =	shalt  }
0x43: {  	_ =	shalt  }
0x44: {  	_ =	shalt  }
0x45: {  	_ =	shalt  }
0x46: {  	_ =	shalt  }
0x47: {  	_ =	shalt  }
0x48: {  	_ =	shalt  }
0x49: {  	_ =	shalt  }
0x4a: {  	_ =	shalt  }
0x4b: {  	_ =	shalt  }
0x4c: {  	_ =	shalt  }
0x4d: {  	_ =	shalt  }
0x4e: {  	_ =	shalt  }
0x4f: {  	_ =	shalt  }
0x50: {  	_ =	shalt  }
0x51: {  	_ =	shalt  }
0x52: {  	_ =	shalt  }
0x53: {  	_ =	shalt  }
0x54: {  	_ =	shalt  }
0x55: {  	_ =	shalt  }
0x56: {  	_ =	shalt  }
0x57: {  	_ =	shalt  }
0x58: {  	_ =	shalt  }
0x59: {  	_ =	shalt  }
0x5a: {  	_ =	shalt  }
0x5b: {  	_ =	shalt  }
0x5c: {  	_ =	shalt  }
0x5d: {  	_ =	shalt  }
0x5e: {  	_ =	shalt  }
0x5f: {  	_ =	shalt  }
0x60: {  	_ =	shalt  }
0x61: {  	_ =	shalt  }
0x62: {  	_ =	shalt  }
0x63: {  	_ =	shalt  }
0x64: {  	_ =	shalt  }
0x65: {  	_ =	shalt  }
0x66: {  	_ =	shalt  }
0x67: {  	_ =	shalt  }
0x68: {  	_ =	shalt  }
0x69: {  	_ =	shalt  }
0x6a: {  	_ =	shalt  }
0x6b: {  	_ =	shalt  }
0x6c: {  	_ =	shalt  }
0x6d: {  	_ =	shalt  }
0x6e: {  	_ =	shalt  }
0x6f: {  	_ =	shalt  }
0x70: {  	_ =	shalt  }
0x71: {  	_ =	shalt  }
0x72: {  	_ =	shalt  }
0x73: {  	_ =	shalt  }
0x74: {  	_ =	shalt  }
0x75: {  	_ =	shalt  }
0x76: {  	_ =	shalt  }
0x77: {  	_ =	shalt  }
0x78: {  	_ =	shalt  }
0x79: {  	_ =	shalt  }
0x7a: {  	_ =	shalt  }
0x7b: {  	_ =	shalt  }
0x7c: {  	_ =	shalt  }
0x7d: {  	_ =	shalt  }
0x7e: {  	_ =	shalt  }
0x7f: {  	_ =	shalt  }
0x80: {  	_ =	shalt  }
0x81: {  	_ =	shalt  }
0x82: {  	_ =	shalt  }
0x83: {  	_ =	shalt  }
0x84: {  	_ =	shalt  }
0x85: {  	_ =	shalt  }
0x86: {  	_ =	shalt  }
0x87: {  	_ =	shalt  }
.Lfunc_end0:
.L_simem_size_0:
called_computation_lowered:
.L_overlay_start_0:
0x88: {  	s2 =	sld [smem:$0x3FD9]  }
0x89: {  	s3 =	sld [smem:$0x3FFE];
	_ =	sdelay $0x1  }
0x8a: {  	s1 =	srdreg.scid  }
0x8b: {  	s0 =	sand.u32 $0x1, s1  }
0x8c: {  	s17 =	sshll.u32 s0, $0xA;
	s2 =	sadd.s32 s3, s2  }
0x8d: {  	s2 =	sadd.s32 s2, s17  }
0x8e: {  	[smem:$0x3FC2] =	sst s2  }
0x8f: {  	_ = 	snop  }
0x90: {  	s2 =	sld [smem:$0x3FD0];
	(tm) =	ssettm $0x1  }
0x91: {  	s18 =	sld [smem:$0x3FFB];
	_ =	sdelay $0x3  }
0x92: {  	_ =	strace s18  }
0x93: {  	s3 =	sld [smem:$0x3FFC];
	_ =	sdelay $0x3  }
0x94: {  	_ =	strace s3  }
0x95: {  	s3 =	sld [smem:$0x3FFD];
	_ =	sdelay $0x3  }
0x96: {  	_ =	strace s3  }
0x97: {  	_ =	strace $0x8FFFFFFF  }
0x98: {  	s19 =	sld [smem:$0x3FDB];
	_ =	sdelay $0x1  }
0x99: {  	s4 =	simm.s32 $_scs_section_size  }
0x9a: {  	s5 =	simm.s32 $_size__tile_overlayer_lowered;
	s6 =	simm.s32 $_tile_overlayer_lowered  }
0x9b: {  	s22 =	simm.s32 $0x1BFF;
	s21 =	sshll.u32 s6, $0x1;
	s3 =	sadd.s32 s4, s19  }
0x9c: {  	s7 =	simm.s32 $0x0;
	s20 =	sshll.u32 s5, $0x1;
	s5 =	sadd.s32 s21, s3  }
0x9d: {  	[timem:s7], [sflag:s22] =	dma.local [hbm:s5], s20  }
0x9e: {  	_ =	swait.ge [sflag:s22], s20  }
0x9f: {  	s4 =	ssub.s32 $0x0, s20;
	[sflag:s22] =	ssyncset.done $0x0  }
0xa0: {  	[sflag:s22] =	ssyncadd.s32 s4;
	_ =	sdelay $0x1  }
0xa1: {  	s23 =	simm.s32 $0x1B8B  }
0xa2: {  	_ =	swait.ge [sflag:s23], $0x1  }
0xa3: {  	[sflag:s23] =	ssyncset.done $0x0  }
0xa4: {  	s25 =	simm.s32 $0x1B8E;
	s24 =	sld [smem:$0x3FFE];
	[sflag:s23] =	ssyncadd.s32 $0xFFFFFFFF  }
0xa5: {  	s26 =	simm.s32 $execute0_lowered;
	[smem:$0x3FD2] =	sst s25  }
0xa6: {  	s5 =	sshll.u32 s26, $0x1;
	_ =	strace $0x80000046;
	[dreg:$0x1] =	wrdreg $0xFFFFFFFF  }
0xa7: {  	s28 =	simm.s32 $_size_execute0_lowered;
	s3 =	sadd.s32 s3, s5;
	[dreg:$0x0] =	wrdreg $0x0  }
0xa8: {  	s5 =	sshll.u32 s28, $0x1;
	[dreg:$0x2] =	wrdreg s3  }
0xa9: {  	[dreg:$0x3] =	wrdreg s5  }
0xaa: {  	[dreg:$0x4] =	wrdreg $0xC0  }
0xab: {  	_ =	task [dreg:s7], $0x5FFFF  }
0xac: {  	[dreg:$0x1] =	wrdreg $0xFFFFFFFF  }
0xad: {  	[dreg:$0x0] =	wrdreg $0x60  }
0xae: {  	[dreg:$0x2] =	wrdreg s24  }
0xaf: {  	[dreg:$0x3] =	wrdreg s2  }
0xb0: {  	[dreg:$0x4] =	wrdreg $0x68000  }
0xb1: {  	[dreg:$0x5] =	wrdreg $0x9  }
0xb2: {  	_ =	task.clear_ibuf [dreg:s7], $0x6FFFF;
	_ =	strace $0x90000046  }
0xb3: {  	s29 =	simm.s32 $0x9;
	_ =	strace $0x80000048  }
0xb4: {  	_ =	swait.ge [sflag:s29], $0x1  }
0xb5: {  	[sflag:s29] =	ssyncadd.s32 $0xFFFFFFFF  }
0xb6: {  	_ =	strace $0x90000048  }
0xb7: {  	_ =	sfence  }
0xb8: {  	s30 =	sld [smem:$0x0];
	_ =	sdelay $0x2  }
0xb9: {  	s31 =	sshll.u32 s1, $0xD;
	s1 =	sshrl.u32 s1, $0x2  }
0xba: {  	s3 =	sand.u32 $0x4000, s31;
	s1 =	sadd.s32 s1, s30  }
0xbb: {  	s0 =	sor.u32 s3, s0;
	s1 =	sshll.u32 s1, $0x11  }
0xbc: {  	s0 =	sor.u32 s1, s0  }
0xbd: {  	s0 =	sadd.s32 $0x8F2B, s0  }
0xbe: {  	[sflag:s0] =	ssyncadd.remote.s32 $0x1  }
0xbf: {  	_ =	sfence.sel $0xFFFF  }
0xc0: {  	[dreg:$0x0] =	wrdreg $0xFFFFFFFF;
	(pc) =	sbr.abs _section_cstart, $3  }
0xc1: {  	[dreg:$0x1] =	wrdreg $0xFFFFFFFF  }
0xc2: {  	_ =	task.clear_ibuf [dreg:s7], $0x2FFFF;
	_ =	strace $0x9FFFFFFF  }
0xc3: {  	(tm) =	ssettm $0x7FFFFFFF  }
tec
execute0_lowered:
.L_overlay_start_1:
0x0: {  	(tag) =	ssettag $0x1  }
0x1: {  	s6 =	rddreg [dreg:$0x0]  }
0x2: {  	s0 =	srdreg.scid;
	s2 =	rddreg [dreg:$0x1]  }
0x3: {  	s3 =	rddreg [dreg:$0x2];
	s4 =	simm.s32 $0x0;
	s7 =	sand.u32 $0x1, s0  }
0x4: {  	s13 =	simm.s32 $0x80;
	s0 =	stileid.u32;
	s8 =	smul.u32 $0x27100, s7  }
0x5: {  	[smem:$0x7FF] =	sst s4;
	s1 =	sshll.u32 s7, $0x4;
	s9 =	smul.u32 $0x50000, s0  }
0x6: {  	s7 =	ssub.s32 $0x2, s7;
	s16 =	smul.u32 $0x2800, s0;
	p0 =	seq.s32 s0, $0xF  }
0x7: {  	s5 =	sor.u32 s0, s1;
	s1 =	rddreg [dreg:$0x3];
	_ =	strace $0x80000047  }
0x8: {  	s31 =	sshrl.u32 s7, $0x1;
	s11 =	sshll.u32 @!p0 s0, $0x6;
	s5 =	smul.u32 $0x500, s5  }
0x9: {  	s8 =	sadd.s32 s8, s6;
	s9 =	sshrl.u32 s9, $0x2;
	s7 =	ssub.s32 s7, s31  }
0xa: {  	s11 =	sor.u32 @!p0 $0x1C01, s11;
	s12 =	sadd.s32 s9, s3;
	s15 =	sadd.s32 $0xDA00, s8  }
0xb: {  	s7 =	smax.u32 s7, $0x1;
	s8 =	simm.s32 $0x1;
	s9 =	simm.s32 $0x2800  }
0xc: {  	s10 =	sadd.s32 s5, s6;
	s5 =	sadd.s32 $0xD200, s6;
	s12 =	sshrl.u32 @!p0 s12, $0x3  }
0xd: {  	s14 =	sadd.s32 @p0 $0x25800, s15;
	s6 =	sadd.s32 $0x3200, s10;
	s10 =	sadd.s32 $0x12C000, s3  }
0xe: {  	s15 =	sadd.s32 @!p0 s16, s15;
	s16 =	simm.s32 $0x0;
	s10 =	sshrl.u32 @p0 s10, $0x3  }
.LBB2_1:
0xf: {  	[tilespmem:s4], [sflag:$0x1] =	stream.linear.gather [hbm4b:s6+s4], $0x2780, $0x38;
	[tilespmem:$0x1A480] =	vst v63  }
0x10: {  	_ =	swait.ge [sflag:s8], $0x2780  }
0x11: {  	[sflag:s8] =	ssyncset.done $0x0  }
0x12: {  	[sflag:s8] =	ssyncadd.s32 $0xFFFFD880  }
0x13: {  	[tilespmem:s9], [sflag:$0x1] =	stream.linear.gather [hbm4b:s5+s4], $0x4000, $0x38;
	[tilespmem:$0x1A480] =	vst v63  }
0x14: {  	_ =	swait.ge [sflag:s8], $0x4000  }
0x15: {  	[sflag:s8] =	ssyncset.done $0x0  }
0x16: {  	s17 =	simm.s32 @p0 $0x1FC1;
	[sflag:s8] =	ssyncadd.s32 $0xFFFFC000  }
0x17: {  	[spmem:s10], [sflag:s17] =	dma.local @p0 [hbm:s2], $0x1900  }
0x18: {  	s17 =	simm.s32 @p0 $0x1  }
0x19: {  	_ =	swait.ge @p0 [sflag:s17], $0x1900  }
0x1a: {  	[sflag:s17] =	ssyncset.done @p0 $0x0  }
0x1b: {  	[sflag:s17] =	ssyncadd.s32 @p0 $0xFFFFE700;
	s17 =	simm.s32 @!p0 $0x1  }
0x1c: {  	[spmem:s12], [sflag:s11] =	dma.local @!p0 [hbm:s2], $0x2800  }
0x1d: {  	_ =	swait.ge @!p0 [sflag:s17], $0x2800  }
0x1e: {  	[sflag:s17] =	ssyncset.done @!p0 $0x0  }
0x1f: {  	[sflag:s17] =	ssyncadd.s32 @!p0 $0xFFFFD800  }
0x20: {  	s31 =	simm.s32 $0x0;
	[bflag:$0x0] =	sbarrier.arrive $0xFFFF  }
0x21: {  	[spmem:s3] =	stream.indirect.scatter.add.f32 [tilespmem:s9], [sflag:$0x1], $0x80, s31, s13, $0xb8;
	[tilespmem:$0x1A480] =	vst v63  }
0x22: {  	_ =	swait.ge [sflag:s8], $0x4000  }
0x23: {  	s17 =	simm.s32 $0x200;
	[sflag:s8] =	ssyncset.done $0x0  }
.LBB2_2:
0x24: {  	s18 =	sshra.s32 s17, $0x2;
	[sflag:s8] =	ssyncadd.s32 $0xFFFFC000;
	p1 =	sne.s32 s17, $0x9C00  }
0x25: {  	[spmem:s3] =	stream.indirect.scatter.add.f32 [tilespmem:s9], [sflag:$0x1], $0x80, s18, s13, $0xb8;
	[tilespmem:$0x1A480] =	vst v63  }
.Ltmp0:
0x26: {  	_ = 	snop;
	(pc) =	sbr.rel @p1 .LBB2_2-.Ltmp0, $4  }
0x27: {  	_ = 	snop  }
0x28: {  	s17 =	sadd.s32 $0x200, s17  }
0x29: {  	_ =	swait.ge [sflag:s8], $0x4000  }
0x2a: {  	[sflag:s8] =	ssyncset.done $0x0  }
0x2b: {  	[sflag:s8] =	ssyncadd.s32 $0xFFFFC000  }
0x2c: {  	s17 =	simm.s32 @p0 $0x1FC1;
	[bflag:$0x0] =	sbarrier.arrive $0xFFFF  }
0x2d: {  	[hbm:s14], [sflag:s17] =	dma.local @p0 [spmem:s10], $0x1900  }
0x2e: {  	s17 =	simm.s32 @p0 $0x1  }
0x2f: {  	s16 =	sadd.s32 $0x1, s16;
	_ =	swait.ge @p0 [sflag:s17], $0x1900  }
0x30: {  	p1 =	sne.s32 s16, s7;
	[sflag:s17] =	ssyncset.done @p0 $0x0  }
.Ltmp1:
0x31: {  	[sflag:s17] =	ssyncadd.s32 @p0 $0xFFFFE700;
	s17 =	simm.s32 @!p0 $0x1;
	(pc) =	sbr.rel @p1 .LBB2_1-.Ltmp1, $4  }
0x32: {  	[hbm:s15], [sflag:s11] =	dma.local @!p0 [spmem:s12], $0x2800  }
0x33: {  	_ =	swait.ge @!p0 [sflag:s17], $0x2800  }
0x34: {  	[sflag:s17] =	ssyncset.done @!p0 $0x0  }
0x35: {  	[sflag:s17] =	ssyncadd.s32 @!p0 $0xFFFFD800  }
0x36: {  	_ =	sfence.sel $0x180000  }
0x37: {  	[bflag:$0x0] =	sbarrier.arrive $0xFFFF  }
0x38: {  	p0 =	sne.s32 s0, $0x0;
	_ =	strace $0x90000047  }
0x39: {  	s0 =	sadd.s32 @!p0 $0x100000, s1;
	[bflag:$0x2] =	sbarrier.arrive $0xFFFF  }
0x3a: {  	[sflag:s0] =	ssyncadd.tile.s32 @!p0 $0x1;
	_ =	shalt  }
.Lfunc_end2:
_tile_overlayer_lowered:
.L_overlay_start_2:
0x3b: {  	(tag) =	ssettag $0x2  }
0x3c: {  	s0 =	rddreg [dreg:$0x0];
	s2 =	stileid.u32  }
0x3d: {  	s1 =	rddreg [dreg:$0x1];
	p0 =	sne.s32 s2, $0x0  }
0x3e: {  	s3 =	rddreg [dreg:$0x2];
	[bflag:$0x3] =	sbarrier.arrive $0xFFFF;
	s2 =	simm.s32 @!p0 $0x1C01  }
0x3f: {  	[timem:s3], [sflag:s2] =	dma.local @!p0 [hbm:s0], s1  }
0x40: {  	s0 =	simm.s32 @!p0 $0x1  }
0x41: {  	_ =	swait.ge @!p0 [sflag:s0], s1  }
0x42: {  	s1 =	ssub.s32 @!p0 $0x0, s1;
	[sflag:s0] =	ssyncset.done @!p0 $0x0  }
0x43: {  	[sflag:s0] =	ssyncadd.s32 @!p0 s1  }
0x44: {  	[bflag:$0x3] =	sbarrier.arrive $0xFFFF  }
0x45: {  	_ =	shalt  }

// kernel: gcn_propagate_sc.4.cloned.1.call-start
scs
__scs_entry_jumppad:
0x0: {  	(pc) =	sbr.rel $0x88, $3  }
0x1: {  	(tag) =	ssettag $0x0;
	lr =	simm.s32 $0x1  }
0x2: {  	[smem:$0x3F9B] =	sst lr;
	_ =	strace $0xD0000000  }
0x3: {  	_ = 	snop  }
0x4: {  	_ = 	snop  }
0x5: {  	_ = 	snop  }
0x6: {  	_ = 	snop  }
0x7: {  	_ = 	snop  }
__scs_overlays_trampoline_lowered:
0x8: {  	[smem:$0x3FAA] =	sst s0  }
0x9: {  	[smem:$0x3FAB] =	sst s1  }
0xa: {  	[smem:$0x3FAC] =	sst s2  }
0xb: {  	[smem:$0x3FAD] =	sst s3  }
0xc: {  	[smem:$0x3FAE] =	sst s4  }
0xd: {  	[smem:$0x3FAF] =	sst s5  }
0xe: {  	[smem:$0x3FB0] =	sst s6  }
0xf: {  	[smem:$0x3FB1] =	sst s7  }
0x10: {  	[smem:$0x3FB2] =	sst s8  }
0x11: {  	[smem:$0x3FB3] =	sst s9;
	s0 =	simm.s32 @!p0 $0x0  }
0x12: {  	s1 =	sld [smem:$0x3F99];
	s0 =	simm.s32 @p0 $0x1  }
0x13: {  	[smem:$0x3FB4] =	sst s0;
	s0 =	simm.s32 @!p1 $0x0  }
0x14: {  	s2 =	sld [smem:$0x3F98];
	s0 =	simm.s32 @p1 $0x1  }
0x15: {  	[smem:$0x3FB5] =	sst s0;
	s0 =	simm.s32 @!p2 $0x0  }
0x16: {  	s3 =	sld [smem:$0x3FDB];
	s0 =	simm.s32 @p2 $0x1  }
0x17: {  	s4 =	simm.s32 $0x1BF5;
	[smem:$0x3FB7] =	sst s0  }
0x18: {  	s0 =	sld [smem:$0x3F9A];
	_ =	swait.ge [sflag:s4], $0x0  }
0x19: {  	s7 =	sld [smem:$0x3F9B]  }
0x1a: {  	s8 =	sadd.s32 $0xFFFFE003, lr  }
0x1b: {  	s9 =	sadd.s32 $0xFFFFFEF7, lr;
	s5 =	simm.s32 $0xFFFFFFFF;
	p2 =	slt.u32 s8, $0xFFFFF086  }
0x1c: {  	p1 =	slt.u32 s9, $0xF7A;
	s5 =	simm.s32 @!p2 $0x0  }
0x1d: {  	s5 =	simm.s32 @p1 $0x1;
	p0 =	seq.s32 s7, s2  }
0x1e: {  	s7 =	smul.u32 @!p0 $0xF7A, s2;
	p2 =	seq.s32 @!p0 s5, $0x0  }
0x1f: {  	s9 =	smul.u32 $0xF7A, s1;
	s8 =	simm.s32 @!p0 $0x1BF5;
	p2 =	por !p2, p0  }
0x20: {  	[sflag:s8] =	ssyncset.s32 @!p0 $0xFFFFF086;
	s6 =	sadd.s32 @!p0 s3, s7;
	s7 =	simm.s32 @!p0 $0x108  }
0x21: {  	s3 =	sadd.s32 s3, s9;
	s6 =	sadd.s32 @!p0 $0x88, s6;
	s7 =	simm.s32 @p2 $0x1082  }
0x22: {  	[simem:s7], [sflag:s8] =	dma.local @!p0 [hbm:s6], $0xF7A  }
0x23: {  	s9 =	sor.u32 $0xD0000000, s2;
	s6 =	simm.s32 $0x108;
	_ =	swait.ge @!p0 [sflag:s8], $0x0  }
0x24: {  	s3 =	sadd.s32 $0x88, s3;
	s6 =	simm.s32 @!p1 $0x1082;
	[sflag:s4] =	ssyncset.s32 $0xFFFFF086  }
0x25: {  	[simem:s6], [sflag:s4] =	dma.local [hbm:s3], $0xF7A  }
0x26: {  	[smem:$0x3F9B] =	sst s1;
	(tag) =	ssettag s2;
	_ =	strace s9  }
0x27: {  	s1 =	sld [smem:$0x3FAB]  }
0x28: {  	s2 =	sld [smem:$0x3FAC]  }
0x29: {  	s4 =	sld [smem:$0x3FAE]  }
0x2a: {  	p0 =	seq.s32 s5, $0x0;
	s5 =	sld [smem:$0x3FAF]  }
0x2b: {  	s6 =	sld [smem:$0x3FB0]  }
0x2c: {  	s7 =	sld [smem:$0x3FB1]  }
0x2d: {  	s3 =	simm.s32 $0x108;
	s8 =	sld [smem:$0x3FB2]  }
0x2e: {  	s3 =	simm.s32 @!p0 $0x1082;
	s9 =	sld [smem:$0x3FB3]  }
0x2f: {  	lr =	sadd.s32 s0, s3;
	s0 =	sld [smem:$0x3FAA]  }
0x30: {  	s3 =	sld [smem:$0x3FAD]  }
0x31: {  	[smem:$0x3FB6] =	sst s10  }
0x32: {  	s10 =	sld [smem:$0x3FB4];
	_ =	sdelay $0x3  }
0x33: {  	p0 =	seq.s32 s10, $0x1;
	s10 =	sld [smem:$0x3FB6];
	_ =	sdelay $0x3  }
0x34: {  	[smem:$0x3FB6] =	sst s10  }
0x35: {  	s10 =	sld [smem:$0x3FB5];
	_ =	sdelay $0x3  }
0x36: {  	p1 =	seq.s32 s10, $0x1;
	s10 =	sld [smem:$0x3FB6];
	_ =	sdelay $0x3  }
0x37: {  	[smem:$0x3FB6] =	sst s10  }
0x38: {  	s10 =	sld [smem:$0x3FB7]  }
0x39: {  	_ = 	snop;
	(pc) =	sbr.ind lr, $3  }
0x3a: {  	_ = 	snop  }
0x3b: {  	_ = 	snop  }
0x3c: {  	p2 =	seq.s32 s10, $0x1;
	s10 =	sld [smem:$0x3FB6]  }
0x3d: {  	_ =	shalt  }
0x3e: {  	_ =	shalt  }
0x3f: {  	_ =	shalt  }
0x40: {  	_ =	shalt  }
0x41: {  	_ =	shalt  }
0x42: {  	_ =	shalt  }
0x43: {  	_ =	shalt  }
0x44: {  	_ =	shalt  }
0x45: {  	_ =	shalt  }
0x46: {  	_ =	shalt  }
0x47: {  	_ =	shalt  }
0x48: {  	_ =	shalt  }
0x49: {  	_ =	shalt  }
0x4a: {  	_ =	shalt  }
0x4b: {  	_ =	shalt  }
0x4c: {  	_ =	shalt  }
0x4d: {  	_ =	shalt  }
0x4e: {  	_ =	shalt  }
0x4f: {  	_ =	shalt  }
0x50: {  	_ =	shalt  }
0x51: {  	_ =	shalt  }
0x52: {  	_ =	shalt  }
0x53: {  	_ =	shalt  }
0x54: {  	_ =	shalt  }
0x55: {  	_ =	shalt  }
0x56: {  	_ =	shalt  }
0x57: {  	_ =	shalt  }
0x58: {  	_ =	shalt  }
0x59: {  	_ =	shalt  }
0x5a: {  	_ =	shalt  }
0x5b: {  	_ =	shalt  }
0x5c: {  	_ =	shalt  }
0x5d: {  	_ =	shalt  }
0x5e: {  	_ =	shalt  }
0x5f: {  	_ =	shalt  }
0x60: {  	_ =	shalt  }
0x61: {  	_ =	shalt  }
0x62: {  	_ =	shalt  }
0x63: {  	_ =	shalt  }
0x64: {  	_ =	shalt  }
0x65: {  	_ =	shalt  }
0x66: {  	_ =	shalt  }
0x67: {  	_ =	shalt  }
0x68: {  	_ =	shalt  }
0x69: {  	_ =	shalt  }
0x6a: {  	_ =	shalt  }
0x6b: {  	_ =	shalt  }
0x6c: {  	_ =	shalt  }
0x6d: {  	_ =	shalt  }
0x6e: {  	_ =	shalt  }
0x6f: {  	_ =	shalt  }
0x70: {  	_ =	shalt  }
0x71: {  	_ =	shalt  }
0x72: {  	_ =	shalt  }
0x73: {  	_ =	shalt  }
0x74: {  	_ =	shalt  }
0x75: {  	_ =	shalt  }
0x76: {  	_ =	shalt  }
0x77: {  	_ =	shalt  }
0x78: {  	_ =	shalt  }
0x79: {  	_ =	shalt  }
0x7a: {  	_ =	shalt  }
0x7b: {  	_ =	shalt  }
0x7c: {  	_ =	shalt  }
0x7d: {  	_ =	shalt  }
0x7e: {  	_ =	shalt  }
0x7f: {  	_ =	shalt  }
0x80: {  	_ =	shalt  }
0x81: {  	_ =	shalt  }
0x82: {  	_ =	shalt  }
0x83: {  	_ =	shalt  }
0x84: {  	_ =	shalt  }
0x85: {  	_ =	shalt  }
0x86: {  	_ =	shalt  }
0x87: {  	_ =	shalt  }
.Lfunc_end0:
.L_simem_size_0:
called_computation.1_lowered:
.L_overlay_start_0:
0x88: {  	s2 =	sld [smem:$0x3FD9]  }
0x89: {  	s3 =	sld [smem:$0x3FFE];
	_ =	sdelay $0x1  }
0x8a: {  	s1 =	srdreg.scid  }
0x8b: {  	s0 =	sand.u32 $0x1, s1  }
0x8c: {  	s16 =	sshll.u32 s0, $0xA;
	s2 =	sadd.s32 s3, s2  }
0x8d: {  	s2 =	sadd.s32 s2, s16  }
0x8e: {  	[smem:$0x3FC2] =	sst s2  }
0x8f: {  	_ = 	snop  }
0x90: {  	(tm) =	ssettm $0x1  }
0x91: {  	s17 =	sld [smem:$0x3FFB];
	_ =	sdelay $0x3  }
0x92: {  	_ =	strace s17  }
0x93: {  	s2 =	sld [smem:$0x3FFC];
	_ =	sdelay $0x3  }
0x94: {  	_ =	strace s2  }
0x95: {  	s2 =	sld [smem:$0x3FFD];
	_ =	sdelay $0x3  }
0x96: {  	_ =	strace s2  }
0x97: {  	_ =	strace $0x8FFFFFFF  }
0x98: {  	s18 =	sld [smem:$0x3FDB];
	_ =	sdelay $0x1  }
0x99: {  	s19 =	simm.s32 $_scs_section_size  }
0x9a: {  	s4 =	simm.s32 $_size__tile_overlayer_lowered;
	s5 =	simm.s32 $_tile_overlayer_lowered  }
0x9b: {  	s22 =	simm.s32 $0x1BFF;
	s21 =	sshll.u32 s5, $0x1;
	s2 =	sadd.s32 s19, s18  }
0x9c: {  	s6 =	simm.s32 $0x0;
	s20 =	sshll.u32 s4, $0x1;
	s4 =	sadd.s32 s21, s2  }
0x9d: {  	[timem:s6], [sflag:s22] =	dma.local [hbm:s4], s20  }
0x9e: {  	_ =	swait.ge [sflag:s22], s20  }
0x9f: {  	s3 =	ssub.s32 $0x0, s20;
	[sflag:s22] =	ssyncset.done $0x0  }
0xa0: {  	[sflag:s22] =	ssyncadd.s32 s3;
	_ =	sdelay $0x1  }
0xa1: {  	s23 =	simm.s32 $0x1B8B  }
0xa2: {  	_ =	swait.ge [sflag:s23], $0x1  }
0xa3: {  	[sflag:s23] =	ssyncset.done $0x0  }
0xa4: {  	s25 =	simm.s32 $0x1B8E;
	s24 =	sld [smem:$0x3FFE];
	[sflag:s23] =	ssyncadd.s32 $0xFFFFFFFF  }
0xa5: {  	s26 =	simm.s32 $execute0_lowered;
	[smem:$0x3FD2] =	sst s25  }
0xa6: {  	s4 =	sshll.u32 s26, $0x1;
	_ =	strace $0x80000049;
	[dreg:$0x1] =	wrdreg $0xFFFFFFFF  }
0xa7: {  	s28 =	simm.s32 $_size_execute0_lowered;
	s2 =	sadd.s32 s2, s4;
	[dreg:$0x0] =	wrdreg $0x0  }
0xa8: {  	s4 =	sshll.u32 s28, $0x1;
	[dreg:$0x2] =	wrdreg s2  }
0xa9: {  	[dreg:$0x3] =	wrdreg s4  }
0xaa: {  	[dreg:$0x4] =	wrdreg $0xC0  }
0xab: {  	_ =	task [dreg:s6], $0x5FFFF  }
0xac: {  	[dreg:$0x1] =	wrdreg $0xFFFFFFFF  }
0xad: {  	[dreg:$0x0] =	wrdreg $0x60  }
0xae: {  	[dreg:$0x2] =	wrdreg s24  }
0xaf: {  	[dreg:$0x3] =	wrdreg $0x90000  }
0xb0: {  	[dreg:$0x4] =	wrdreg $0x9  }
0xb1: {  	_ =	task.clear_ibuf [dreg:s6], $0x5FFFF;
	_ =	strace $0x90000049  }
0xb2: {  	s29 =	simm.s32 $0x9;
	_ =	strace $0x8000004B  }
0xb3: {  	_ =	swait.ge [sflag:s29], $0x1  }
0xb4: {  	[sflag:s29] =	ssyncadd.s32 $0xFFFFFFFF  }
0xb5: {  	_ =	strace $0x9000004B  }
0xb6: {  	_ =	sfence  }
0xb7: {  	s30 =	sld [smem:$0x0];
	_ =	sdelay $0x2  }
0xb8: {  	s31 =	sshll.u32 s1, $0xD;
	s1 =	sshrl.u32 s1, $0x2  }
0xb9: {  	s3 =	sand.u32 $0x4000, s31;
	s1 =	sadd.s32 s1, s30  }
0xba: {  	s0 =	sor.u32 s3, s0;
	s1 =	sshll.u32 s1, $0x11  }
0xbb: {  	s0 =	sor.u32 s1, s0  }
0xbc: {  	s0 =	sadd.s32 $0x8F2B, s0  }
0xbd: {  	[sflag:s0] =	ssyncadd.remote.s32 $0x1  }
0xbe: {  	_ =	sfence.sel $0xFFFF  }
0xbf: {  	[dreg:$0x0] =	wrdreg $0xFFFFFFFF;
	(pc) =	sbr.abs _section_cstart, $3  }
0xc0: {  	[dreg:$0x1] =	wrdreg $0xFFFFFFFF  }
0xc1: {  	_ =	task.clear_ibuf [dreg:s6], $0x2FFFF;
	_ =	strace $0x9FFFFFFF  }
0xc2: {  	(tm) =	ssettm $0x7FFFFFFF  }
0xc3: {  	_ =	shalt  }
tec
execute0_lowered:
.L_overlay_start_1:
0x0: {  	(tag) =	ssettag $0x1  }
0x1: {  	s8 =	rddreg [dreg:$0x0]  }
0x2: {  	s1 =	rddreg [dreg:$0x1];
	s2 =	srdreg.scid  }
0x3: {  	s0 =	rddreg [dreg:$0x2];
	s3 =	simm.s32 $0x0;
	s15 =	simm.s32 $0x80  }
0x4: {  	s16 =	simm.s32 $0x5000;
	s5 =	sand.u32 $0x1, s2;
	s2 =	stileid.u32  }
0x5: {  	[smem:$0x7FF] =	sst s3;
	s12 =	sadd.s32 $0x12C000, s1;
	s7 =	smul.u32 $0x27100, s5  }
0x6: {  	s4 =	sshll.u32 s5, $0x4;
	_ =	strace $0x8000004A;
	s10 =	smul.u32 $0x50000, s2  }
0x7: {  	s5 =	ssub.s32 $0x2, s5;
	s18 =	smul.u32 $0x2800, s2;
	p0 =	seq.s32 s2, $0xF  }
0x8: {  	s4 =	sor.u32 s2, s4;
	s9 =	sshrl.u32 s5, $0x1;
	s13 =	sshll.u32 @!p0 s2, $0x6  }
0x9: {  	s12 =	sshrl.u32 @p0 s12, $0x3;
	s6 =	smul.u32 $0x500, s4;
	s4 =	sadd.s32 $0xD200, s8  }
0xa: {  	s11 =	sadd.s32 s7, s8;
	s9 =	ssub.s32 s5, s9;
	s31 =	sshrl.u32 s10, $0x2  }
0xb: {  	s10 =	simm.s32 $0x1;
	s13 =	sor.u32 @!p0 $0x1C01, s13;
	s14 =	sadd.s32 s31, s1  }
0xc: {  	s7 =	sadd.s32 s4, s18;
	s19 =	sadd.s32 $0x65C00, s11;
	s9 =	smax.u32 s9, $0x1  }
0xd: {  	s11 =	simm.s32 $0x2800;
	s6 =	sadd.s32 s6, s8;
	s8 =	sadd.s32 $0x32A00, s8  }
0xe: {  	s14 =	sshrl.u32 @!p0 s14, $0x3;
	s17 =	sadd.s32 @p0 $0x25800, s19;
	s18 =	sadd.s32 @!p0 s18, s19  }
0xf: {  	s19 =	simm.s32 $0x0;
	s5 =	sadd.s32 $0x5BC00, s6;
	s6 =	sadd.s32 $0x3200, s6  }
.LBB2_1:
0x10: {  	[tilespmem:s3], [sflag:$0x1] =	stream.linear.gather [hbm4b:s5+s3], $0x2780, $0x38;
	[tilespmem:$0x1CC80] =	vst v63  }
0x11: {  	_ =	swait.ge [sflag:s10], $0x2780  }
0x12: {  	[sflag:s10] =	ssyncset.done $0x0  }
0x13: {  	[sflag:s10] =	ssyncadd.s32 $0xFFFFD880  }
0x14: {  	[tilespmem:s11], [sflag:$0x1] =	stream.linear.gather [hbm4b:s6+s3], $0x2780, $0x38;
	[tilespmem:$0x1CC80] =	vst v63  }
0x15: {  	_ =	swait.ge [sflag:s10], $0x2780  }
0x16: {  	[sflag:s10] =	ssyncset.done $0x0  }
0x17: {  	s20 =	simm.s32 @p0 $0x1FC1;
	[sflag:s10] =	ssyncadd.s32 $0xFFFFD880  }
0x18: {  	[spmem:s12], [sflag:s20] =	dma.local @p0 [hbm:s8], $0x1900  }
0x19: {  	s20 =	simm.s32 @p0 $0x1  }
0x1a: {  	_ =	swait.ge @p0 [sflag:s20], $0x1900  }
0x1b: {  	[sflag:s20] =	ssyncset.done @p0 $0x0  }
0x1c: {  	[sflag:s20] =	ssyncadd.s32 @p0 $0xFFFFE700;
	s20 =	simm.s32 @!p0 $0x1  }
0x1d: {  	[spmem:s14], [sflag:s13] =	dma.local @!p0 [hbm:s7], $0x2800  }
0x1e: {  	_ =	swait.ge @!p0 [sflag:s20], $0x2800  }
0x1f: {  	[sflag:s20] =	ssyncset.done @!p0 $0x0  }
0x20: {  	[sflag:s20] =	ssyncadd.s32 @!p0 $0xFFFFD800  }
0x21: {  	s30 =	simm.s32 $0x0;
	[bflag:$0x0] =	sbarrier.arrive $0xFFFF  }
0x22: {  	[tilespmem:s16], [sflag:$0x1] =	stream.indirect.gather [hbm4b:s4+s15], $0x80, s30, s15, $0xb8;
	[tilespmem:$0x1CC80] =	vst v63  }
0x23: {  	_ =	swait.ge [sflag:s10], $0x4000  }
0x24: {  	[sflag:s10] =	ssyncset.done $0x0  }
0x25: {  	s31 =	simm.s32 $0x2800;
	[sflag:s10] =	ssyncadd.s32 $0xFFFFC000  }
0x26: {  	[spmem:s1] =	stream.indirect.scatter.add.f32 [tilespmem:s16], [sflag:$0x1], $0x80, s31, s15, $0xb8;
	[tilespmem:$0x1CC80] =	vst v63  }
0x27: {  	_ =	swait.ge [sflag:s10], $0x4000  }
0x28: {  	s21 =	simm.s32 $0x400;
	s20 =	simm.s32 $0x200;
	[sflag:s10] =	ssyncset.done $0x0  }
.LBB2_2:
0x29: {  	s22 =	sshra.s32 s20, $0x2  }
0x2a: {  	[sflag:s10] =	ssyncadd.s32 $0xFFFFC000;
	s20 =	smov.u32 s21;
	s23 =	sadd.s32 $0x200, s21  }
0x2b: {  	[tilespmem:s16], [sflag:$0x1] =	stream.indirect.gather [hbm4b:s4+s15], $0x80, s22, s15, $0xb8;
	[tilespmem:$0x1CC80] =	vst v63  }
0x2c: {  	p1 =	sne.s32 s21, $0x9C00;
	_ =	swait.ge [sflag:s10], $0x4000  }
.Ltmp0:
0x2d: {  	[sflag:s10] =	ssyncset.done $0x0;
	(pc) =	sbr.rel @p1 .LBB2_2-.Ltmp0, $4  }
0x2e: {  	s21 =	sadd.s32 $0x2800, s22;
	[sflag:s10] =	ssyncadd.s32 $0xFFFFC000  }
0x2f: {  	[spmem:s1] =	stream.indirect.scatter.add.f32 [tilespmem:s16], [sflag:$0x1], $0x80, s21, s15, $0xb8;
	[tilespmem:$0x1CC80] =	vst v63  }
0x30: {  	_ =	swait.ge [sflag:s10], $0x4000  }
0x31: {  	s21 =	smov.u32 s23;
	[sflag:s10] =	ssyncset.done $0x0  }
0x32: {  	s20 =	sshra.s32 s20, $0x2;
	[sflag:s10] =	ssyncadd.s32 $0xFFFFC000  }
0x33: {  	[tilespmem:s16], [sflag:$0x1] =	stream.indirect.gather [hbm4b:s4+s15], $0x80, s20, s15, $0xb8;
	[tilespmem:$0x1CC80] =	vst v63  }
0x34: {  	_ =	swait.ge [sflag:s10], $0x4000  }
0x35: {  	[sflag:s10] =	ssyncset.done $0x0  }
0x36: {  	s20 =	sadd.s32 $0x2800, s20;
	[sflag:s10] =	ssyncadd.s32 $0xFFFFC000  }
0x37: {  	[spmem:s1] =	stream.indirect.scatter.add.f32 [tilespmem:s16], [sflag:$0x1], $0x80, s20, s15, $0xb8;
	[tilespmem:$0x1CC80] =	vst v63  }
0x38: {  	_ =	swait.ge [sflag:s10], $0x4000  }
0x39: {  	[sflag:s10] =	ssyncset.done $0x0  }
0x3a: {  	[sflag:s10] =	ssyncadd.s32 $0xFFFFC000  }
0x3b: {  	s20 =	simm.s32 @p0 $0x1FC1;
	[bflag:$0x0] =	sbarrier.arrive $0xFFFF  }
0x3c: {  	[hbm:s17], [sflag:s20] =	dma.local @p0 [spmem:s12], $0x1900  }
0x3d: {  	s20 =	simm.s32 @p0 $0x1  }
0x3e: {  	s19 =	sadd.s32 $0x1, s19;
	_ =	swait.ge @p0 [sflag:s20], $0x1900  }
0x3f: {  	p1 =	sne.s32 s19, s9;
	[sflag:s20] =	ssyncset.done @p0 $0x0  }
.Ltmp1:
0x40: {  	[sflag:s20] =	ssyncadd.s32 @p0 $0xFFFFE700;
	s20 =	simm.s32 @!p0 $0x1;
	(pc) =	sbr.rel @p1 .LBB2_1-.Ltmp1, $4  }
0x41: {  	[hbm:s18], [sflag:s13] =	dma.local @!p0 [spmem:s14], $0x2800  }
0x42: {  	_ =	swait.ge @!p0 [sflag:s20], $0x2800  }
0x43: {  	[sflag:s20] =	ssyncset.done @!p0 $0x0  }
0x44: {  	[sflag:s20] =	ssyncadd.s32 @!p0 $0xFFFFD800  }
0x45: {  	_ =	sfence.sel $0x180000  }
0x46: {  	[bflag:$0x0] =	sbarrier.arrive $0xFFFF  }
0x47: {  	p0 =	sne.s32 s2, $0x0;
	_ =	strace $0x9000004A  }
0x48: {  	s0 =	sadd.s32 @!p0 $0x100000, s0;
	[bflag:$0x2] =	sbarrier.arrive $0xFFFF  }
0x49: {  	[sflag:s0] =	ssyncadd.tile.s32 @!p0 $0x1;
	_ =	shalt  }
.Lfunc_end2:
_tile_overlayer_lowered:
.L_overlay_start_2:
0x4a: {  	(tag) =	ssettag $0x2  }
0x4b: {  	s0 =	rddreg [dreg:$0x0];
	s2 =	stileid.u32  }
0x4c: {  	s1 =	rddreg [dreg:$0x1];
	p0 =	sne.s32 s2, $0x0  }
0x4d: {  	s3 =	rddreg [dreg:$0x2];
	[bflag:$0x3] =	sbarrier.arrive $0xFFFF;
	s2 =	simm.s32 @!p0 $0x1C01  }
0x4e: {  	[timem:s3], [sflag:s2] =	dma.local @!p0 [hbm:s0], s1  }
0x4f: {  	s0 =	simm.s32 @!p0 $0x1  }
0x50: {  	_ =	swait.ge @!p0 [sflag:s0], s1  }
0x51: {  	s1 =	ssub.s32 @!p0 $0x0, s1;
	[sflag:s0] =	ssyncset.done @!p0 $0x0  }
0x52: {  	[sflag:s0] =	ssyncadd.s32 @!p0 s1  }
0x53: {  	[bflag:$0x3] =	sbarrier.arrive $0xFFFF  }
0x54: {  	_ =	shalt  }

// kernel: gcn_propagate_sc.7.cloned.1.call-start
scs
__scs_entry_jumppad:
0x0: {  	(pc) =	sbr.rel $0x88, $3  }
0x1: {  	(tag) =	ssettag $0x0;
	lr =	simm.s32 $0x1  }
0x2: {  	[smem:$0x3F9B] =	sst lr;
	_ =	strace $0xD0000000  }
0x3: {  	_ = 	snop  }
0x4: {  	_ = 	snop  }
0x5: {  	_ = 	snop  }
0x6: {  	_ = 	snop  }
0x7: {  	_ = 	snop  }
__scs_overlays_trampoline_lowered:
0x8: {  	[smem:$0x3FAA] =	sst s0  }
0x9: {  	[smem:$0x3FAB] =	sst s1  }
0xa: {  	[smem:$0x3FAC] =	sst s2  }
0xb: {  	[smem:$0x3FAD] =	sst s3  }
0xc: {  	[smem:$0x3FAE] =	sst s4  }
0xd: {  	[smem:$0x3FAF] =	sst s5  }
0xe: {  	[smem:$0x3FB0] =	sst s6  }
0xf: {  	[smem:$0x3FB1] =	sst s7  }
0x10: {  	[smem:$0x3FB2] =	sst s8  }
0x11: {  	[smem:$0x3FB3] =	sst s9;
	s0 =	simm.s32 @!p0 $0x0  }
0x12: {  	s1 =	sld [smem:$0x3F99];
	s0 =	simm.s32 @p0 $0x1  }
0x13: {  	[smem:$0x3FB4] =	sst s0;
	s0 =	simm.s32 @!p1 $0x0  }
0x14: {  	s2 =	sld [smem:$0x3F98];
	s0 =	simm.s32 @p1 $0x1  }
0x15: {  	[smem:$0x3FB5] =	sst s0;
	s0 =	simm.s32 @!p2 $0x0  }
0x16: {  	s3 =	sld [smem:$0x3FDB];
	s0 =	simm.s32 @p2 $0x1  }
0x17: {  	s4 =	simm.s32 $0x1BF5;
	[smem:$0x3FB7] =	sst s0  }
0x18: {  	s0 =	sld [smem:$0x3F9A];
	_ =	swait.ge [sflag:s4], $0x0  }
0x19: {  	s7 =	sld [smem:$0x3F9B]  }
0x1a: {  	s8 =	sadd.s32 $0xFFFFE003, lr  }
0x1b: {  	s9 =	sadd.s32 $0xFFFFFEF7, lr;
	s5 =	simm.s32 $0xFFFFFFFF;
	p2 =	slt.u32 s8, $0xFFFFF086  }
0x1c: {  	p1 =	slt.u32 s9, $0xF7A;
	s5 =	simm.s32 @!p2 $0x0  }
0x1d: {  	s5 =	simm.s32 @p1 $0x1;
	p0 =	seq.s32 s7, s2  }
0x1e: {  	s7 =	smul.u32 @!p0 $0xF7A, s2;
	p2 =	seq.s32 @!p0 s5, $0x0  }
0x1f: {  	s9 =	smul.u32 $0xF7A, s1;
	s8 =	simm.s32 @!p0 $0x1BF5;
	p2 =	por !p2, p0  }
0x20: {  	[sflag:s8] =	ssyncset.s32 @!p0 $0xFFFFF086;
	s6 =	sadd.s32 @!p0 s3, s7;
	s7 =	simm.s32 @!p0 $0x108  }
0x21: {  	s3 =	sadd.s32 s3, s9;
	s6 =	sadd.s32 @!p0 $0x88, s6;
	s7 =	simm.s32 @p2 $0x1082  }
0x22: {  	[simem:s7], [sflag:s8] =	dma.local @!p0 [hbm:s6], $0xF7A  }
0x23: {  	s9 =	sor.u32 $0xD0000000, s2;
	s6 =	simm.s32 $0x108;
	_ =	swait.ge @!p0 [sflag:s8], $0x0  }
0x24: {  	s3 =	sadd.s32 $0x88, s3;
	s6 =	simm.s32 @!p1 $0x1082;
	[sflag:s4] =	ssyncset.s32 $0xFFFFF086  }
0x25: {  	[simem:s6], [sflag:s4] =	dma.local [hbm:s3], $0xF7A  }
0x26: {  	[smem:$0x3F9B] =	sst s1;
	(tag) =	ssettag s2;
	_ =	strace s9  }
0x27: {  	s1 =	sld [smem:$0x3FAB]  }
0x28: {  	s2 =	sld [smem:$0x3FAC]  }
0x29: {  	s4 =	sld [smem:$0x3FAE]  }
0x2a: {  	p0 =	seq.s32 s5, $0x0;
	s5 =	sld [smem:$0x3FAF]  }
0x2b: {  	s6 =	sld [smem:$0x3FB0]  }
0x2c: {  	s7 =	sld [smem:$0x3FB1]  }
0x2d: {  	s3 =	simm.s32 $0x108;
	s8 =	sld [smem:$0x3FB2]  }
0x2e: {  	s3 =	simm.s32 @!p0 $0x1082;
	s9 =	sld [smem:$0x3FB3]  }
0x2f: {  	lr =	sadd.s32 s0, s3;
	s0 =	sld [smem:$0x3FAA]  }
0x30: {  	s3 =	sld [smem:$0x3FAD]  }
0x31: {  	[smem:$0x3FB6] =	sst s10  }
0x32: {  	s10 =	sld [smem:$0x3FB4];
	_ =	sdelay $0x3  }
0x33: {  	p0 =	seq.s32 s10, $0x1;
	s10 =	sld [smem:$0x3FB6];
	_ =	sdelay $0x3  }
0x34: {  	[smem:$0x3FB6] =	sst s10  }
0x35: {  	s10 =	sld [smem:$0x3FB5];
	_ =	sdelay $0x3  }
0x36: {  	p1 =	seq.s32 s10, $0x1;
	s10 =	sld [smem:$0x3FB6];
	_ =	sdelay $0x3  }
0x37: {  	[smem:$0x3FB6] =	sst s10  }
0x38: {  	s10 =	sld [smem:$0x3FB7]  }
0x39: {  	_ = 	snop;
	(pc) =	sbr.ind lr, $3  }
0x3a: {  	_ = 	snop  }
0x3b: {  	_ = 	snop  }
0x3c: {  	p2 =	seq.s32 s10, $0x1;
	s10 =	sld [smem:$0x3FB6]  }
0x3d: {  	_ =	shalt  }
0x3e: {  	_ =	shalt  }
0x3f: {  	_ =	shalt  }
0x40: {  	_ =	shalt  }
0x41: {  	_ =	shalt  }
0x42: {  	_ =	shalt  }
0x43: {  	_ =	shalt  }
0x44: {  	_ =	shalt  }
0x45: {  	_ =	shalt  }
0x46: {  	_ =	shalt  }
0x47: {  	_ =	shalt  }
0x48: {  	_ =	shalt  }
0x49: {  	_ =	shalt  }
0x4a: {  	_ =	shalt  }
0x4b: {  	_ =	shalt  }
0x4c: {  	_ =	shalt  }
0x4d: {  	_ =	shalt  }
0x4e: {  	_ =	shalt  }
0x4f: {  	_ =	shalt  }
0x50: {  	_ =	shalt  }
0x51: {  	_ =	shalt  }
0x52: {  	_ =	shalt  }
0x53: {  	_ =	shalt  }
0x54: {  	_ =	shalt  }
0x55: {  	_ =	shalt  }
0x56: {  	_ =	shalt  }
0x57: {  	_ =	shalt  }
0x58: {  	_ =	shalt  }
0x59: {  	_ =	shalt  }
0x5a: {  	_ =	shalt  }
0x5b: {  	_ =	shalt  }
0x5c: {  	_ =	shalt  }
0x5d: {  	_ =	shalt  }
0x5e: {  	_ =	shalt  }
0x5f: {  	_ =	shalt  }
0x60: {  	_ =	shalt  }
0x61: {  	_ =	shalt  }
0x62: {  	_ =	shalt  }
0x63: {  	_ =	shalt  }
0x64: {  	_ =	shalt  }
0x65: {  	_ =	shalt  }
0x66: {  	_ =	shalt  }
0x67: {  	_ =	shalt  }
0x68: {  	_ =	shalt  }
0x69: {  	_ =	shalt  }
0x6a: {  	_ =	shalt  }
0x6b: {  	_ =	shalt  }
0x6c: {  	_ =	shalt  }
0x6d: {  	_ =	shalt  }
0x6e: {  	_ =	shalt  }
0x6f: {  	_ =	shalt  }
0x70: {  	_ =	shalt  }
0x71: {  	_ =	shalt  }
0x72: {  	_ =	shalt  }
0x73: {  	_ =	shalt  }
0x74: {  	_ =	shalt  }
0x75: {  	_ =	shalt  }
0x76: {  	_ =	shalt  }
0x77: {  	_ =	shalt  }
0x78: {  	_ =	shalt  }
0x79: {  	_ =	shalt  }
0x7a: {  	_ =	shalt  }
0x7b: {  	_ =	shalt  }
0x7c: {  	_ =	shalt  }
0x7d: {  	_ =	shalt  }
0x7e: {  	_ =	shalt  }
0x7f: {  	_ =	shalt  }
0x80: {  	_ =	shalt  }
0x81: {  	_ =	shalt  }
0x82: {  	_ =	shalt  }
0x83: {  	_ =	shalt  }
0x84: {  	_ =	shalt  }
0x85: {  	_ =	shalt  }
0x86: {  	_ =	shalt  }
0x87: {  	_ =	shalt  }
.Lfunc_end0:
.L_simem_size_0:
called_computation.2_lowered:
.L_overlay_start_0:
0x88: {  	s2 =	sld [smem:$0x3FD9]  }
0x89: {  	s3 =	sld [smem:$0x3FFE];
	_ =	sdelay $0x1  }
0x8a: {  	s1 =	srdreg.scid  }
0x8b: {  	s0 =	sand.u32 $0x1, s1  }
0x8c: {  	s16 =	sshll.u32 s0, $0xA;
	s2 =	sadd.s32 s3, s2  }
0x8d: {  	s2 =	sadd.s32 s2, s16  }
0x8e: {  	[smem:$0x3FC2] =	sst s2  }
0x8f: {  	_ = 	snop  }
0x90: {  	(tm) =	ssettm $0x1  }
0x91: {  	s17 =	sld [smem:$0x3FFB];
	_ =	sdelay $0x3  }
0x92: {  	_ =	strace s17  }
0x93: {  	s2 =	sld [smem:$0x3FFC];
	_ =	sdelay $0x3  }
0x94: {  	_ =	strace s2  }
0x95: {  	s2 =	sld [smem:$0x3FFD];
	_ =	sdelay $0x3  }
0x96: {  	_ =	strace s2  }
0x97: {  	_ =	strace $0x8FFFFFFF  }
0x98: {  	s18 =	sld [smem:$0x3FDB];
	_ =	sdelay $0x1  }
0x99: {  	s19 =	simm.s32 $_scs_section_size  }
0x9a: {  	s4 =	simm.s32 $_size__tile_overlayer_lowered;
	s5 =	simm.s32 $_tile_overlayer_lowered  }
0x9b: {  	s22 =	simm.s32 $0x1BFF;
	s21 =	sshll.u32 s5, $0x1;
	s2 =	sadd.s32 s19, s18  }
0x9c: {  	s6 =	simm.s32 $0x0;
	s20 =	sshll.u32 s4, $0x1;
	s4 =	sadd.s32 s21, s2  }
0x9d: {  	[timem:s6], [sflag:s22] =	dma.local [hbm:s4], s20  }
0x9e: {  	_ =	swait.ge [sflag:s22], s20  }
0x9f: {  	s3 =	ssub.s32 $0x0, s20;
	[sflag:s22] =	ssyncset.done $0x0  }
0xa0: {  	[sflag:s22] =	ssyncadd.s32 s3;
	_ =	sdelay $0x1  }
0xa1: {  	s23 =	simm.s32 $0x1B8B  }
0xa2: {  	_ =	swait.ge [sflag:s23], $0x1  }
0xa3: {  	[sflag:s23] =	ssyncset.done $0x0  }
0xa4: {  	s25 =	simm.s32 $0x1B8E;
	s24 =	sld [smem:$0x3FFE];
	[sflag:s23] =	ssyncadd.s32 $0xFFFFFFFF  }
0xa5: {  	s26 =	simm.s32 $execute0_lowered;
	[smem:$0x3FD2] =	sst s25  }
0xa6: {  	s4 =	sshll.u32 s26, $0x1;
	_ =	strace $0x8000004C;
	[dreg:$0x1] =	wrdreg $0xFFFFFFFF  }
0xa7: {  	s28 =	simm.s32 $_size_execute0_lowered;
	s2 =	sadd.s32 s2, s4;
	[dreg:$0x0] =	wrdreg $0x0  }
0xa8: {  	s4 =	sshll.u32 s28, $0x1;
	[dreg:$0x2] =	wrdreg s2  }
0xa9: {  	[dreg:$0x3] =	wrdreg s4  }
0xaa: {  	[dreg:$0x4] =	wrdreg $0xC0  }
0xab: {  	_ =	task [dreg:s6], $0x5FFFF  }
0xac: {  	[dreg:$0x1] =	wrdreg $0xFFFFFFFF  }
0xad: {  	[dreg:$0x0] =	wrdreg $0x60  }
0xae: {  	[dreg:$0x2] =	wrdreg s24  }
0xaf: {  	[dreg:$0x3] =	wrdreg $0x90000  }
0xb0: {  	[dreg:$0x4] =	wrdreg $0x9  }
0xb1: {  	_ =	task.clear_ibuf [dreg:s6], $0x5FFFF;
	_ =	strace $0x9000004C  }
0xb2: {  	s29 =	simm.s32 $0x9;
	_ =	strace $0x8000004E  }
0xb3: {  	_ =	swait.ge [sflag:s29], $0x1  }
0xb4: {  	[sflag:s29] =	ssyncadd.s32 $0xFFFFFFFF  }
0xb5: {  	_ =	strace $0x9000004E  }
0xb6: {  	_ =	sfence  }
0xb7: {  	s30 =	sld [smem:$0x0];
	_ =	sdelay $0x2  }
0xb8: {  	s31 =	sshll.u32 s1, $0xD;
	s1 =	sshrl.u32 s1, $0x2  }
0xb9: {  	s3 =	sand.u32 $0x4000, s31;
	s1 =	sadd.s32 s1, s30  }
0xba: {  	s0 =	sor.u32 s3, s0;
	s1 =	sshll.u32 s1, $0x11  }
0xbb: {  	s0 =	sor.u32 s1, s0  }
0xbc: {  	s0 =	sadd.s32 $0x8F2B, s0  }
0xbd: {  	[sflag:s0] =	ssyncadd.remote.s32 $0x1  }
0xbe: {  	_ =	sfence.sel $0xFFFF  }
0xbf: {  	[dreg:$0x0] =	wrdreg $0xFFFFFFFF;
	(pc) =	sbr.abs _section_cstart, $3  }
0xc0: {  	[dreg:$0x1] =	wrdreg $0xFFFFFFFF  }
0xc1: {  	_ =	task.clear_ibuf [dreg:s6], $0x2FFFF;
	_ =	strace $0x9FFFFFFF  }
0xc2: {  	(tm) =	ssettm $0x7FFFFFFF  }
0xc3: {  	_ =	shalt  }
tec
execute0_lowered:
.L_overlay_start_1:
0x0: {  	(tag) =	ssettag $0x1  }
0x1: {  	s8 =	rddreg [dreg:$0x0]  }
0x2: {  	s1 =	rddreg [dreg:$0x1];
	s2 =	srdreg.scid  }
0x3: {  	s0 =	rddreg [dreg:$0x2];
	s3 =	simm.s32 $0x0;
	s15 =	simm.s32 $0x80  }
0x4: {  	s16 =	simm.s32 $0x5000;
	s5 =	sand.u32 $0x1, s2;
	s2 =	stileid.u32  }
0x5: {  	[smem:$0x7FF] =	sst s3;
	s12 =	sadd.s32 $0x12C000, s1;
	s7 =	smul.u32 $0x27100, s5  }
0x6: {  	s4 =	sshll.u32 s5, $0x4;
	_ =	strace $0x8000004D;
	s10 =	smul.u32 $0x50000, s2  }
0x7: {  	s5 =	ssub.s32 $0x2, s5;
	s18 =	smul.u32 $0x2800, s2;
	p0 =	seq.s32 s2, $0xF  }
0x8: {  	s4 =	sor.u32 s2, s4;
	s9 =	sshrl.u32 s5, $0x1;
	s13 =	sshll.u32 @!p0 s2, $0x6  }
0x9: {  	s12 =	sshrl.u32 @p0 s12, $0x3;
	s6 =	smul.u32 $0x500, s4;
	s4 =	sadd.s32 $0xD200, s8  }
0xa: {  	s11 =	sadd.s32 s7, s8;
	s9 =	ssub.s32 s5, s9;
	s31 =	sshrl.u32 s10, $0x2  }
0xb: {  	s10 =	simm.s32 $0x1;
	s13 =	sor.u32 @!p0 $0x1C01, s13;
	s14 =	sadd.s32 s31, s1  }
0xc: {  	s7 =	sadd.s32 s4, s18;
	s19 =	sadd.s32 $0x65C00, s11;
	s9 =	smax.u32 s9, $0x1  }
0xd: {  	s11 =	simm.s32 $0x2800;
	s6 =	sadd.s32 s6, s8;
	s8 =	sadd.s32 $0x32A00, s8  }
0xe: {  	s14 =	sshrl.u32 @!p0 s14, $0x3;
	s17 =	sadd.s32 @p0 $0x25800, s19;
	s18 =	sadd.s32 @!p0 s18, s19  }
0xf: {  	s19 =	simm.s32 $0x0;
	s5 =	sadd.s32 $0x5BC00, s6;
	s6 =	sadd.s32 $0x3200, s6  }
.LBB2_1:
0x10: {  	[tilespmem:s3], [sflag:$0x1] =	stream.linear.gather [hbm4b:s5+s3], $0x2780, $0x38;
	[tilespmem:$0x1CC80] =	vst v63  }
0x11: {  	_ =	swait.ge [sflag:s10], $0x2780  }
0x12: {  	[sflag:s10] =	ssyncset.done $0x0  }
0x13: {  	[sflag:s10] =	ssyncadd.s32 $0xFFFFD880  }
0x14: {  	[tilespmem:s11], [sflag:$0x1] =	stream.linear.gather [hbm4b:s6+s3], $0x2780, $0x38;
	[tilespmem:$0x1CC80] =	vst v63  }
0x15: {  	_ =	swait.ge [sflag:s10], $0x2780  }
0x16: {  	[sflag:s10] =	ssyncset.done $0x0  }
0x17: {  	s20 =	simm.s32 @p0 $0x1FC1;
	[sflag:s10] =	ssyncadd.s32 $0xFFFFD880  }
0x18: {  	[spmem:s12], [sflag:s20] =	dma.local @p0 [hbm:s8], $0x1900  }
0x19: {  	s20 =	simm.s32 @p0 $0x1  }
0x1a: {  	_ =	swait.ge @p0 [sflag:s20], $0x1900  }
0x1b: {  	[sflag:s20] =	ssyncset.done @p0 $0x0  }
0x1c: {  	[sflag:s20] =	ssyncadd.s32 @p0 $0xFFFFE700;
	s20 =	simm.s32 @!p0 $0x1  }
0x1d: {  	[spmem:s14], [sflag:s13] =	dma.local @!p0 [hbm:s7], $0x2800  }
0x1e: {  	_ =	swait.ge @!p0 [sflag:s20], $0x2800  }
0x1f: {  	[sflag:s20] =	ssyncset.done @!p0 $0x0  }
0x20: {  	[sflag:s20] =	ssyncadd.s32 @!p0 $0xFFFFD800  }
0x21: {  	s30 =	simm.s32 $0x0;
	[bflag:$0x0] =	sbarrier.arrive $0xFFFF  }
0x22: {  	[tilespmem:s16], [sflag:$0x1] =	stream.indirect.gather [hbm4b:s4+s15], $0x80, s30, s15, $0xb8;
	[tilespmem:$0x1CC80] =	vst v63  }
0x23: {  	_ =	swait.ge [sflag:s10], $0x4000  }
0x24: {  	[sflag:s10] =	ssyncset.done $0x0  }
0x25: {  	s31 =	simm.s32 $0x2800;
	[sflag:s10] =	ssyncadd.s32 $0xFFFFC000  }
0x26: {  	[spmem:s1] =	stream.indirect.scatter.add.f32 [tilespmem:s16], [sflag:$0x1], $0x80, s31, s15, $0xb8;
	[tilespmem:$0x1CC80] =	vst v63  }
0x27: {  	_ =	swait.ge [sflag:s10], $0x4000  }
0x28: {  	s21 =	simm.s32 $0x400;
	s20 =	simm.s32 $0x200;
	[sflag:s10] =	ssyncset.done $0x0  }
.LBB2_2:
0x29: {  	s22 =	sshra.s32 s20, $0x2  }
0x2a: {  	[sflag:s10] =	ssyncadd.s32 $0xFFFFC000;
	s20 =	smov.u32 s21;
	s23 =	sadd.s32 $0x200, s21  }
0x2b: {  	[tilespmem:s16], [sflag:$0x1] =	stream.indirect.gather [hbm4b:s4+s15], $0x80, s22, s15, $0xb8;
	[tilespmem:$0x1CC80] =	vst v63  }
0x2c: {  	p1 =	sne.s32 s21, $0x9C00;
	_ =	swait.ge [sflag:s10], $0x4000  }
.Ltmp0:
0x2d: {  	[sflag:s10] =	ssyncset.done $0x0;
	(pc) =	sbr.rel @p1 .LBB2_2-.Ltmp0, $4  }
0x2e: {  	s21 =	sadd.s32 $0x2800, s22;
	[sflag:s10] =	ssyncadd.s32 $0xFFFFC000  }
0x2f: {  	[spmem:s1] =	stream.indirect.scatter.add.f32 [tilespmem:s16], [sflag:$0x1], $0x80, s21, s15, $0xb8;
	[tilespmem:$0x1CC80] =	vst v63  }
0x30: {  	_ =	swait.ge [sflag:s10], $0x4000  }
0x31: {  	s21 =	smov.u32 s23;
	[sflag:s10] =	ssyncset.done $0x0  }
0x32: {  	s20 =	sshra.s32 s20, $0x2;
	[sflag:s10] =	ssyncadd.s32 $0xFFFFC000  }
0x33: {  	[tilespmem:s16], [sflag:$0x1] =	stream.indirect.gather [hbm4b:s4+s15], $0x80, s20, s15, $0xb8;
	[tilespmem:$0x1CC80] =	vst v63  }
0x34: {  	_ =	swait.ge [sflag:s10], $0x4000  }
0x35: {  	[sflag:s10] =	ssyncset.done $0x0  }
0x36: {  	s20 =	sadd.s32 $0x2800, s20;
	[sflag:s10] =	ssyncadd.s32 $0xFFFFC000  }
0x37: {  	[spmem:s1] =	stream.indirect.scatter.add.f32 [tilespmem:s16], [sflag:$0x1], $0x80, s20, s15, $0xb8;
	[tilespmem:$0x1CC80] =	vst v63  }
0x38: {  	_ =	swait.ge [sflag:s10], $0x4000  }
0x39: {  	[sflag:s10] =	ssyncset.done $0x0  }
0x3a: {  	[sflag:s10] =	ssyncadd.s32 $0xFFFFC000  }
0x3b: {  	s20 =	simm.s32 @p0 $0x1FC1;
	[bflag:$0x0] =	sbarrier.arrive $0xFFFF  }
0x3c: {  	[hbm:s17], [sflag:s20] =	dma.local @p0 [spmem:s12], $0x1900  }
0x3d: {  	s20 =	simm.s32 @p0 $0x1  }
0x3e: {  	s19 =	sadd.s32 $0x1, s19;
	_ =	swait.ge @p0 [sflag:s20], $0x1900  }
0x3f: {  	p1 =	sne.s32 s19, s9;
	[sflag:s20] =	ssyncset.done @p0 $0x0  }
.Ltmp1:
0x40: {  	[sflag:s20] =	ssyncadd.s32 @p0 $0xFFFFE700;
	s20 =	simm.s32 @!p0 $0x1;
	(pc) =	sbr.rel @p1 .LBB2_1-.Ltmp1, $4  }
0x41: {  	[hbm:s18], [sflag:s13] =	dma.local @!p0 [spmem:s14], $0x2800  }
0x42: {  	_ =	swait.ge @!p0 [sflag:s20], $0x2800  }
0x43: {  	[sflag:s20] =	ssyncset.done @!p0 $0x0  }
0x44: {  	[sflag:s20] =	ssyncadd.s32 @!p0 $0xFFFFD800  }
0x45: {  	_ =	sfence.sel $0x180000  }
0x46: {  	[bflag:$0x0] =	sbarrier.arrive $0xFFFF  }
0x47: {  	p0 =	sne.s32 s2, $0x0;
	_ =	strace $0x9000004D  }
0x48: {  	s0 =	sadd.s32 @!p0 $0x100000, s0;
	[bflag:$0x2] =	sbarrier.arrive $0xFFFF  }
0x49: {  	[sflag:s0] =	ssyncadd.tile.s32 @!p0 $0x1;
	_ =	shalt  }
.Lfunc_end2:
_tile_overlayer_lowered:
.L_overlay_start_2:
0x4a: {  	(tag) =	ssettag $0x2  }
0x4b: {  	s0 =	rddreg [dreg:$0x0];
	s2 =	stileid.u32  }
0x4c: {  	s1 =	rddreg [dreg:$0x1];
	p0 =	sne.s32 s2, $0x0  }
0x4d: {  	s3 =	rddreg [dreg:$0x2];
	[bflag:$0x3] =	sbarrier.arrive $0xFFFF;
	s2 =	simm.s32 @!p0 $0x1C01  }
0x4e: {  	[timem:s3], [sflag:s2] =	dma.local @!p0 [hbm:s0], s1  }
0x4f: {  	s0 =	simm.s32 @!p0 $0x1  }
0x50: {  	_ =	swait.ge @!p0 [sflag:s0], s1  }
0x51: {  	s1 =	ssub.s32 @!p0 $0x0, s1;
	[sflag:s0] =	ssyncset.done @!p0 $0x0  }
0x52: {  	[sflag:s0] =	ssyncadd.s32 @!p0 s1  }
0x53: {  	[bflag:$0x3] =	sbarrier.arrive $0xFFFF  }
0x54: {  	_ =	shalt  }

</sc_bundles>
